<compile_context>
chip_gen: v7x
topology: tpu7x:2x2x1
jax: 0.10.2.dev20260603
libtpu: 0.0.44.dev20260713+nightly
codegen_flags: <defaults>
</compile_context>

<pallas_src>
import functools

import jax
import jax.numpy as jnp
from jax import lax
from jax.experimental import pallas as pl
from jax.experimental.pallas import tpu as pltpu
from jax.experimental.pallas import tpu_sc as plsc

NUM_FIELDS = 26
VOCAB = 100000
EMBED_DIM = 32
BATCH = 16384

NUM_LINES = NUM_FIELDS * EMBED_DIM
NUM_WORKERS = 32
LINES_PER_W = NUM_LINES // NUM_WORKERS
LANES = 16
CHUNK = 4096
NCHUNK = BATCH // CHUNK


def _body(cat_hbm, tab_hbm, col_hbm, out_hbm, line_v, idx_v, out_v, col_v,
          line_sem, out_sem0, out_sem1):
    nc = 2
    wid = lax.axis_index("s") * nc + lax.axis_index("c")
    base = wid * LINES_PER_W
    out_sems = (out_sem0, out_sem1)

    pltpu.sync_copy(col_hbm, col_v)

    f0 = base // EMBED_DIM
    pltpu.sync_copy(cat_hbm.at[f0], idx_v)
    pltpu.async_copy(tab_hbm.at[base], line_v, line_sem)

    zeros16 = jnp.full((LANES,), 0, jnp.int32)

    def line_body(li, prev_f):
        l = base + li
        f = l // EMBED_DIM
        d = l % EMBED_DIM

        @pl.when(f != prev_f)
        def _():
            pltpu.sync_copy(cat_hbm.at[f], idx_v)

        bias = plsc.load_gather(col_v, [zeros16 + f, zeros16 + d])

        pltpu.make_async_copy(tab_hbm.at[l], line_v, line_sem).wait()

        for c in range(NCHUNK):
            slot = c % 2
            sem = out_sems[slot]

            if c >= 2:
                pltpu.make_async_copy(
                    out_v.at[slot], out_hbm.at[l, pl.ds(c * CHUNK, CHUNK)], sem
                ).wait()
            else:
                @pl.when(li > 0)
                def _():
                    pltpu.make_async_copy(
                        out_v.at[slot], out_hbm.at[l, pl.ds(c * CHUNK, CHUNK)],
                        sem,
                    ).wait()

            @plsc.parallel_loop(0, CHUNK, LANES, unroll=8)
            def _(i):
                vals = plsc.load_gather(line_v, [idx_v[pl.ds(c * CHUNK + i, LANES)]])
                out_v[slot, pl.ds(i, LANES)] = vals + bias
            pltpu.async_copy(
                out_v.at[slot], out_hbm.at[l, pl.ds(c * CHUNK, CHUNK)], sem
            )

        @pl.when(li < LINES_PER_W - 1)
        def _():
            pltpu.async_copy(tab_hbm.at[l + 1], line_v, line_sem)

        return f

    lax.fori_loop(0, LINES_PER_W, line_body, f0)

    last = base + LINES_PER_W - 1
    for slot in range(2):
        pltpu.make_async_copy(
            out_v.at[slot], out_hbm.at[last, pl.ds(slot * CHUNK, CHUNK)],
            out_sems[slot],
        ).wait()


@jax.jit
def _run(cat_t, tab_t, col):
    mesh = plsc.VectorSubcoreMesh(core_axis_name="c", subcore_axis_name="s")
    k = functools.partial(
        pl.kernel,
        mesh=mesh,
        out_type=jax.ShapeDtypeStruct((NUM_LINES, BATCH), jnp.float32),
        scratch_types=[
            pltpu.VMEM((VOCAB,), jnp.float32),
            pltpu.VMEM((BATCH,), jnp.int32),
            pltpu.VMEM((2, CHUNK), jnp.float32),
            pltpu.VMEM((NUM_FIELDS, EMBED_DIM), jnp.float32),
            pltpu.SemaphoreType.DMA,
            pltpu.SemaphoreType.DMA,
            pltpu.SemaphoreType.DMA,
        ],
        compiler_params=pltpu.CompilerParams(
            use_tc_tiling_on_sc=True, needs_layout_passes=False
        ),
    )(_body)
    return k(cat_t, tab_t, col)


def kernel(categorical_inputs, tables, column_embedding):
    cat_t = categorical_inputs.astype(jnp.int32).T
    tab_t = tables.transpose(0, 2, 1).reshape(NUM_LINES, VOCAB)
    out_t = _run(cat_t, tab_t, column_embedding)
    return out_t.reshape(NUM_FIELDS, EMBED_DIM, BATCH).transpose(2, 0, 1)

# --- scband reference (transcript-rebuilt; emitter-appended) ---
"""Pipeline reference for scband-feature-embedding-25013889532361 (READ-ONLY COPY).

The authoritative reference and input builder live on the scoring server;
editing this copy changes nothing except your own understanding.
"""

import jax, jax.numpy as jnp
import numpy as np

NUM_FIELDS = 26
VOCAB = 100000
EMBED_DIM = 32
BATCH = 16384

def setup_inputs(seed: int = 0) -> dict:
    key = jax.random.key(seed)
    k_idx, k_tab, k_col = jax.random.split(key, 3)
    categorical_inputs = jax.random.randint(k_idx, (BATCH, NUM_FIELDS), 0, VOCAB, dtype=jnp.int64 if jax.config.jax_enable_x64 else jnp.int32)
    # all field tables have the same cardinality, so stack into one array [F, V, D]
    tables = jax.random.normal(k_tab, (NUM_FIELDS, VOCAB, EMBED_DIM), dtype=jnp.float32)
    column_embedding = jax.random.normal(k_col, (NUM_FIELDS, EMBED_DIM), dtype=jnp.float32) * 0.02
    return {"categorical_inputs": categorical_inputs, "tables": tables, "column_embedding": column_embedding}

def reference(categorical_inputs, tables, column_embedding):
    # per-field embedding lookup: embedded[b, f] = tables[f, idx[b, f]]
    field_ids = jnp.arange(NUM_FIELDS)[None, :]  # [1, F]
    stacked = tables[field_ids, categorical_inputs]  # [B, F, D] gather
    return stacked + column_embedding[None, :, :]

if __name__ == "__main__":
    import jax
    _d = setup_inputs()
    print(jax.jit(kernel)(*tuple(_d.values())))

</pallas_src>

<mosaic_0001>
#map = affine_map<(d0, d1) -> (0, 0)>
module attributes {stable_mosaic.version = 14 : i64} {
  func.func @_body(%arg0: i32, %arg1: i32, %arg2: memref<26x16384xi32, #tpu.memory_space<hbm>>, %arg3: memref<832x100000xf32, #tpu.memory_space<hbm>>, %arg4: memref<26x32xf32, #tpu.memory_space<hbm>>, %arg5: memref<832x16384xf32, #tpu.memory_space<hbm>>, %arg6: memref<100000xf32, #tpu.memory_space<vmem>>, %arg7: memref<16384xi32, #tpu.memory_space<vmem>>, %arg8: memref<2x4096xf32, #tpu.memory_space<vmem>>, %arg9: memref<26x32xf32, #tpu.memory_space<vmem>>, %arg10: memref<!tpu.dma_semaphore, #tpu.memory_space<semaphore_mem>>, %arg11: memref<!tpu.dma_semaphore, #tpu.memory_space<semaphore_mem>>, %arg12: memref<!tpu.dma_semaphore, #tpu.memory_space<semaphore_mem>>) attributes {dimension_semantics = [#tpu.dimension_semantics<core_parallel>, #tpu.dimension_semantics<subcore_parallel>], iteration_bounds = array<i64: 2, 16>, scalar_prefetch = 0 : i64, scratch_operands = 7 : i64, tpu.core_type = #tpu.core_type<sc_vector_subcore>, window_params = [{transform_indices = #map}, {transform_indices = #map}, {transform_indices = #map}, {transform_indices = #map}]} {
    %mul3A = arith.constant 2 : i32
    %mul3A_0 = arith.muli %arg1, %mul3A : i32
    %add3A = arith.addi %mul3A_0, %arg0 : i32
    %mul3A_1 = arith.constant 26 : i32
    %mul3A_2 = arith.muli %add3A, %mul3A_1 : i32
    "tpu.region"() ({
      %run_scoped3A = tpu.sem_alloc : memref<!tpu.dma_semaphore, #tpu.memory_space<semaphore_mem>>
      tpu.enqueue_dma source(%arg4 : memref<26x32xf32, #tpu.memory_space<hbm>>) target(%arg9 : memref<26x32xf32, #tpu.memory_space<vmem>>) target_semaphore(%run_scoped3A : memref<!tpu.dma_semaphore, #tpu.memory_space<semaphore_mem>>)
      tpu.wait_dma2 semaphore(%run_scoped3A : memref<!tpu.dma_semaphore, #tpu.memory_space<semaphore_mem>>) src(%arg4 : memref<26x32xf32, #tpu.memory_space<hbm>>) dst(%arg9 : memref<26x32xf32, #tpu.memory_space<vmem>>)
      tpu.yield
    }) : () -> ()
    %jit3A = arith.constant 32 : i32
    %div3A = arith.divsi %mul3A_2, %jit3A : i32
    %sign3A = arith.constant 0 : i32
    %sign3A_3 = arith.cmpi sgt, %mul3A_2, %sign3A : i32
    %sign3A_4 = arith.extui %sign3A_3 : i1 to i32
    %sign3A_5 = arith.constant 0 : i32
    %sign3A_6 = arith.cmpi slt, %mul3A_2, %sign3A_5 : i32
    %sign3A_7 = arith.extui %sign3A_6 : i1 to i32
    %sign3A_8 = arith.subi %sign3A_4, %sign3A_7 : i32
    %sign3A_9 = arith.constant 0 : i32
    %sign3A_10 = arith.cmpi sgt, %jit3A, %sign3A_9 : i32
    %sign3A_11 = arith.extui %sign3A_10 : i1 to i32
    %sign3A_12 = arith.constant 0 : i32
    %sign3A_13 = arith.cmpi slt, %jit3A, %sign3A_12 : i32
    %sign3A_14 = arith.extui %sign3A_13 : i1 to i32
    %sign3A_15 = arith.subi %sign3A_11, %sign3A_14 : i32
    %ne3A = arith.cmpi ne, %sign3A_8, %sign3A_15 : i32
    %rem3A = arith.remsi %mul3A_2, %jit3A : i32
    %ne3A_16 = arith.constant 0 : i32
    %ne3A_17 = arith.cmpi ne, %rem3A, %ne3A_16 : i32
    %and3A = arith.andi %ne3A, %ne3A_17 : i1
    %sub3A = arith.constant 1 : i32
    %sub3A_18 = arith.subi %div3A, %sub3A : i32
    %select_n3A = arith.select %and3A, %sub3A_18, %div3A : i32
    "tpu.region"() ({
      %run_scoped3A = tpu.sem_alloc : memref<!tpu.dma_semaphore, #tpu.memory_space<semaphore_mem>>
      %dma_start3A_59 = arith.constant 0 : i32
      %dma_start3A_60 = tpu.memref_slice %arg2[%select_n3A, %dma_start3A_59] : memref<26x16384xi32, #tpu.memory_space<hbm>> -> memref<1x16384xi32, #tpu.memory_space<hbm>>
      %dma_start3A_61 = tpu.memref_squeeze %dma_start3A_60 : memref<1x16384xi32, #tpu.memory_space<hbm>> -> memref<16384xi32, #tpu.memory_space<hbm>>
      %dma_start3A_62 = arith.constant 0 : i32
      %dma_start3A_63 = tpu.memref_slice %arg2[%select_n3A, %dma_start3A_62] : memref<26x16384xi32, #tpu.memory_space<hbm>> -> memref<1x16384xi32, #tpu.memory_space<hbm>>
      %dma_start3A_64 = tpu.memref_squeeze %dma_start3A_63 : memref<1x16384xi32, #tpu.memory_space<hbm>> -> memref<16384xi32, #tpu.memory_space<hbm>>
      tpu.enqueue_dma source(%dma_start3A_64 : memref<16384xi32, #tpu.memory_space<hbm>>) target(%arg7 : memref<16384xi32, #tpu.memory_space<vmem>>) target_semaphore(%run_scoped3A : memref<!tpu.dma_semaphore, #tpu.memory_space<semaphore_mem>>)
      %dma_wait3A_65 = arith.constant 0 : i32
      %dma_wait3A_66 = tpu.memref_slice %arg2[%select_n3A, %dma_wait3A_65] : memref<26x16384xi32, #tpu.memory_space<hbm>> -> memref<1x16384xi32, #tpu.memory_space<hbm>>
      %dma_wait3A_67 = tpu.memref_squeeze %dma_wait3A_66 : memref<1x16384xi32, #tpu.memory_space<hbm>> -> memref<16384xi32, #tpu.memory_space<hbm>>
      %dma_wait3A_68 = arith.constant 0 : i32
      %dma_wait3A_69 = tpu.memref_slice %arg2[%select_n3A, %dma_wait3A_68] : memref<26x16384xi32, #tpu.memory_space<hbm>> -> memref<1x16384xi32, #tpu.memory_space<hbm>>
      %dma_wait3A_70 = tpu.memref_squeeze %dma_wait3A_69 : memref<1x16384xi32, #tpu.memory_space<hbm>> -> memref<16384xi32, #tpu.memory_space<hbm>>
      tpu.wait_dma2 semaphore(%run_scoped3A : memref<!tpu.dma_semaphore, #tpu.memory_space<semaphore_mem>>) src(%dma_wait3A_70 : memref<16384xi32, #tpu.memory_space<hbm>>) dst(%arg7 : memref<16384xi32, #tpu.memory_space<vmem>>)
      tpu.yield
    }) : () -> ()
    %dma_start3A = arith.constant 0 : i32
    %dma_start3A_19 = tpu.memref_slice %arg3[%mul3A_2, %dma_start3A] : memref<832x100000xf32, #tpu.memory_space<hbm>> -> memref<1x100000xf32, #tpu.memory_space<hbm>>
    %dma_start3A_20 = tpu.memref_squeeze %dma_start3A_19 : memref<1x100000xf32, #tpu.memory_space<hbm>> -> memref<100000xf32, #tpu.memory_space<hbm>>
    %dma_start3A_21 = arith.constant 0 : i32
    %dma_start3A_22 = tpu.memref_slice %arg3[%mul3A_2, %dma_start3A_21] : memref<832x100000xf32, #tpu.memory_space<hbm>> -> memref<1x100000xf32, #tpu.memory_space<hbm>>
    %dma_start3A_23 = tpu.memref_squeeze %dma_start3A_22 : memref<1x100000xf32, #tpu.memory_space<hbm>> -> memref<100000xf32, #tpu.memory_space<hbm>>
    tpu.enqueue_dma source(%dma_start3A_23 : memref<100000xf32, #tpu.memory_space<hbm>>) target(%arg6 : memref<100000xf32, #tpu.memory_space<vmem>>) target_semaphore(%arg10 : memref<!tpu.dma_semaphore, #tpu.memory_space<semaphore_mem>>)
    %broadcast_in_dim3A = arith.constant 0 : i32
    %broadcast_in_dim3A_24 = vector.broadcast %broadcast_in_dim3A : i32 to vector<16xi32>
    %scan3A = arith.constant 0 : i32
    %scan3A_25 = arith.constant 26 : i32
    %scan3A_26 = arith.addi %scan3A, %scan3A_25 : i32
    %scan3A_27 = arith.constant 1 : i32
    %scan3A_28 = scf.for %scan3A_59 = %scan3A to %scan3A_26 step %scan3A_27 iter_args(%scan3A_60 = %select_n3A) -> (i32)  : i32 {
      %add3A_61 = arith.addi %mul3A_2, %scan3A_59 : i32
      %jit3A_62 = arith.constant 32 : i32
      %div3A_63 = arith.divsi %add3A_61, %jit3A_62 : i32
      %sign3A_64 = arith.constant 0 : i32
      %sign3A_65 = arith.cmpi sgt, %add3A_61, %sign3A_64 : i32
      %sign3A_66 = arith.extui %sign3A_65 : i1 to i32
      %sign3A_67 = arith.constant 0 : i32
      %sign3A_68 = arith.cmpi slt, %add3A_61, %sign3A_67 : i32
      %sign3A_69 = arith.extui %sign3A_68 : i1 to i32
      %sign3A_70 = arith.subi %sign3A_66, %sign3A_69 : i32
      %sign3A_71 = arith.constant 0 : i32
      %sign3A_72 = arith.cmpi sgt, %jit3A_62, %sign3A_71 : i32
      %sign3A_73 = arith.extui %sign3A_72 : i1 to i32
      %sign3A_74 = arith.constant 0 : i32
      %sign3A_75 = arith.cmpi slt, %jit3A_62, %sign3A_74 : i32
      %sign3A_76 = arith.extui %sign3A_75 : i1 to i32
      %sign3A_77 = arith.subi %sign3A_73, %sign3A_76 : i32
      %ne3A_78 = arith.cmpi ne, %sign3A_70, %sign3A_77 : i32
      %rem3A_79 = arith.remsi %add3A_61, %jit3A_62 : i32
      %ne3A_80 = arith.constant 0 : i32
      %ne3A_81 = arith.cmpi ne, %rem3A_79, %ne3A_80 : i32
      %and3A_82 = arith.andi %ne3A_78, %ne3A_81 : i1
      %sub3A_83 = arith.constant 1 : i32
      %sub3A_84 = arith.subi %div3A_63, %sub3A_83 : i32
      %select_n3A_85 = arith.select %and3A_82, %sub3A_84, %div3A_63 : i32
      %jit3A_86 = arith.constant 32 : i32
      %eq3A = arith.constant 0 : i32
      %eq3A_87 = arith.cmpi eq, %jit3A_86, %eq3A : i32
      %jit3A_88 = arith.constant 1 : i32
      %select_n3A_89 = arith.select %eq3A_87, %jit3A_88, %jit3A_86 : i32
      %rem3A_90 = arith.remsi %add3A_61, %select_n3A_89 : i32
      %ne3A_91 = arith.constant 0 : i32
      %ne3A_92 = arith.cmpi ne, %rem3A_90, %ne3A_91 : i32
      %lt3A = arith.constant 0 : i32
      %lt3A_93 = arith.cmpi slt, %rem3A_90, %lt3A : i32
      %lt3A_94 = arith.constant 0 : i32
      %lt3A_95 = arith.cmpi slt, %select_n3A_89, %lt3A_94 : i32
      %ne3A_96 = arith.xori %lt3A_93, %lt3A_95 : i1
      %and3A_97 = arith.andi %ne3A_96, %ne3A_92 : i1
      %add3A_98 = arith.addi %rem3A_90, %select_n3A_89 : i32
      %select_n3A_99 = arith.select %and3A_97, %add3A_98, %rem3A_90 : i32
      %ne3A_100 = arith.cmpi ne, %select_n3A_85, %scan3A_60 : i32
      %convert_element_type3A = arith.extui %ne3A_100 : i1 to i32
      %cond3A = arith.constant 0 : i32
      %cond3A_101 = arith.cmpi ne, %convert_element_type3A, %cond3A : i32
      scf.if %cond3A_101 {
        "tpu.region"() ({
          %run_scoped3A = tpu.sem_alloc : memref<!tpu.dma_semaphore, #tpu.memory_space<semaphore_mem>>
          %dma_start3A_215 = arith.constant 0 : i32
          %dma_start3A_216 = tpu.memref_slice %arg2[%select_n3A_85, %dma_start3A_215] : memref<26x16384xi32, #tpu.memory_space<hbm>> -> memref<1x16384xi32, #tpu.memory_space<hbm>>
          %dma_start3A_217 = tpu.memref_squeeze %dma_start3A_216 : memref<1x16384xi32, #tpu.memory_space<hbm>> -> memref<16384xi32, #tpu.memory_space<hbm>>
          %dma_start3A_218 = arith.constant 0 : i32
          %dma_start3A_219 = tpu.memref_slice %arg2[%select_n3A_85, %dma_start3A_218] : memref<26x16384xi32, #tpu.memory_space<hbm>> -> memref<1x16384xi32, #tpu.memory_space<hbm>>
          %dma_start3A_220 = tpu.memref_squeeze %dma_start3A_219 : memref<1x16384xi32, #tpu.memory_space<hbm>> -> memref<16384xi32, #tpu.memory_space<hbm>>
          tpu.enqueue_dma source(%dma_start3A_220 : memref<16384xi32, #tpu.memory_space<hbm>>) target(%arg7 : memref<16384xi32, #tpu.memory_space<vmem>>) target_semaphore(%run_scoped3A : memref<!tpu.dma_semaphore, #tpu.memory_space<semaphore_mem>>)
          %dma_wait3A_221 = arith.constant 0 : i32
          %dma_wait3A_222 = tpu.memref_slice %arg2[%select_n3A_85, %dma_wait3A_221] : memref<26x16384xi32, #tpu.memory_space<hbm>> -> memref<1x16384xi32, #tpu.memory_space<hbm>>
          %dma_wait3A_223 = tpu.memref_squeeze %dma_wait3A_222 : memref<1x16384xi32, #tpu.memory_space<hbm>> -> memref<16384xi32, #tpu.memory_space<hbm>>
          %dma_wait3A_224 = arith.constant 0 : i32
          %dma_wait3A_225 = tpu.memref_slice %arg2[%select_n3A_85, %dma_wait3A_224] : memref<26x16384xi32, #tpu.memory_space<hbm>> -> memref<1x16384xi32, #tpu.memory_space<hbm>>
          %dma_wait3A_226 = tpu.memref_squeeze %dma_wait3A_225 : memref<1x16384xi32, #tpu.memory_space<hbm>> -> memref<16384xi32, #tpu.memory_space<hbm>>
          tpu.wait_dma2 semaphore(%run_scoped3A : memref<!tpu.dma_semaphore, #tpu.memory_space<semaphore_mem>>) src(%dma_wait3A_226 : memref<16384xi32, #tpu.memory_space<hbm>>) dst(%arg7 : memref<16384xi32, #tpu.memory_space<vmem>>)
          tpu.yield
        }) : () -> ()
      } else {
      }
      %add3A_102 = vector.broadcast %select_n3A_85 : i32 to vector<16xi32>
      %add3A_103 = arith.addi %broadcast_in_dim3A_24, %add3A_102 : vector<16xi32>
      %add3A_104 = vector.broadcast %select_n3A_99 : i32 to vector<16xi32>
      %add3A_105 = arith.addi %broadcast_in_dim3A_24, %add3A_104 : vector<16xi32>
      %gather3A = tpu.vector_load_idx %arg9[%add3A_103, %add3A_105] : memref<26x32xf32, #tpu.memory_space<vmem>>[vector<16xi32>, vector<16xi32>], vector<16xf32>,
      %dma_wait3A_106 = arith.constant 0 : i32
      %dma_wait3A_107 = tpu.memref_slice %arg3[%add3A_61, %dma_wait3A_106] : memref<832x100000xf32, #tpu.memory_space<hbm>> -> memref<1x100000xf32, #tpu.memory_space<hbm>>
      %dma_wait3A_108 = tpu.memref_squeeze %dma_wait3A_107 : memref<1x100000xf32, #tpu.memory_space<hbm>> -> memref<100000xf32, #tpu.memory_space<hbm>>
      %dma_wait3A_109 = arith.constant 0 : i32
      %dma_wait3A_110 = tpu.memref_slice %arg3[%add3A_61, %dma_wait3A_109] : memref<832x100000xf32, #tpu.memory_space<hbm>> -> memref<1x100000xf32, #tpu.memory_space<hbm>>
      %dma_wait3A_111 = tpu.memref_squeeze %dma_wait3A_110 : memref<1x100000xf32, #tpu.memory_space<hbm>> -> memref<100000xf32, #tpu.memory_space<hbm>>
      tpu.wait_dma2 semaphore(%arg10 : memref<!tpu.dma_semaphore, #tpu.memory_space<semaphore_mem>>) src(%dma_wait3A_111 : memref<100000xf32, #tpu.memory_space<hbm>>) dst(%arg6 : memref<100000xf32, #tpu.memory_space<vmem>>)
      %gt3A = arith.constant 0 : i32
      %gt3A_112 = arith.cmpi sgt, %scan3A_59, %gt3A : i32
      %convert_element_type3A_113 = arith.extui %gt3A_112 : i1 to i32
      %cond3A_114 = arith.constant 0 : i32
      %cond3A_115 = arith.cmpi ne, %convert_element_type3A_113, %cond3A_114 : i32
      scf.if %cond3A_115 {
        %dma_wait3A_215 = arith.constant 0 : i32
        %dma_wait3A_216 = arith.constant 0 : i32
        %dma_wait3A_217 = tpu.memref_slice %arg8[%dma_wait3A_215, %dma_wait3A_216] : memref<2x4096xf32, #tpu.memory_space<vmem>> -> memref<1x4096xf32, #tpu.memory_space<vmem>>
        %dma_wait3A_218 = tpu.memref_squeeze %dma_wait3A_217 : memref<1x4096xf32, #tpu.memory_space<vmem>> -> memref<4096xf32, #tpu.memory_space<vmem>>
        %dma_wait3A_219 = arith.constant 0 : i32
        %dma_wait3A_220 = tpu.memref_slice %arg5[%add3A_61, %dma_wait3A_219] : memref<832x16384xf32, #tpu.memory_space<hbm>> -> memref<1x4096xf32, #tpu.memory_space<hbm>>
        %dma_wait3A_221 = tpu.memref_squeeze %dma_wait3A_220 : memref<1x4096xf32, #tpu.memory_space<hbm>> -> memref<4096xf32, #tpu.memory_space<hbm>>
        %dma_wait3A_222 = arith.constant 0 : i32
        %dma_wait3A_223 = tpu.memref_slice %arg5[%add3A_61, %dma_wait3A_222] : memref<832x16384xf32, #tpu.memory_space<hbm>> -> memref<1x4096xf32, #tpu.memory_space<hbm>>
        %dma_wait3A_224 = tpu.memref_squeeze %dma_wait3A_223 : memref<1x4096xf32, #tpu.memory_space<hbm>> -> memref<4096xf32, #tpu.memory_space<hbm>>
        %dma_wait3A_225 = arith.constant 0 : i32
        %dma_wait3A_226 = tpu.memref_slice %arg8[%dma_wait3A_215, %dma_wait3A_225] : memref<2x4096xf32, #tpu.memory_space<vmem>> -> memref<1x4096xf32, #tpu.memory_space<vmem>>
        %dma_wait3A_227 = tpu.memref_squeeze %dma_wait3A_226 : memref<1x4096xf32, #tpu.memory_space<vmem>> -> memref<4096xf32, #tpu.memory_space<vmem>>
        tpu.wait_dma2 semaphore(%arg11 : memref<!tpu.dma_semaphore, #tpu.memory_space<semaphore_mem>>) src(%dma_wait3A_227 : memref<4096xf32, #tpu.memory_space<vmem>>) dst(%dma_wait3A_224 : memref<4096xf32, #tpu.memory_space<hbm>>)
      } else {
      }
      %parallel_loop3A = arith.constant 0 : i32
      %parallel_loop3A_116 = arith.constant 4096 : i32
      %parallel_loop3A_117 = arith.constant 16 : i32
      scf.for %parallel_loop3A_215 = %parallel_loop3A to %parallel_loop3A_116 step %parallel_loop3A_117  : i32 {
        %parallel_loop3A_216 = arith.constant 0 : i32
        %parallel_loop3A_217 = arith.addi %parallel_loop3A_216, %parallel_loop3A_215 : i32
        %parallel_loop3A_218 = arith.index_cast %parallel_loop3A_217 : i32 to index
        %parallel_loop3A_219 = tpu.vector_load %arg7[%parallel_loop3A_218] {strides = array<i32>} : memref<16384xi32, #tpu.memory_space<vmem>>, vector<16xi32>,
        %parallel_loop3A_220 = tpu.vector_load_idx %arg6[%parallel_loop3A_219] : memref<100000xf32, #tpu.memory_space<vmem>>[vector<16xi32>], vector<16xf32>,
        %parallel_loop3A_221 = arith.addf %parallel_loop3A_220, %gather3A : vector<16xf32>
        %parallel_loop3A_222 = arith.constant 0 : i32
        %parallel_loop3A_223 = arith.index_cast %parallel_loop3A_222 : i32 to index
        %parallel_loop3A_224 = arith.index_cast %parallel_loop3A_215 : i32 to index
        %parallel_loop3A_225 = tpu.vector_load %arg8[%parallel_loop3A_223, %parallel_loop3A_224] {strides = array<i32>} : memref<2x4096xf32, #tpu.memory_space<vmem>>, vector<16xf32>,
        tpu.vector_store %arg8[%parallel_loop3A_223, %parallel_loop3A_224], %parallel_loop3A_221 {strides = array<i32>} : memref<2x4096xf32, #tpu.memory_space<vmem>>, vector<16xf32>,
      } {sc.loop_unroll_factor = 8 : i64, sc.parallel_access}
      %dma_start3A_118 = arith.constant 0 : i32
      %dma_start3A_119 = arith.constant 0 : i32
      %dma_start3A_120 = tpu.memref_slice %arg8[%dma_start3A_118, %dma_start3A_119] : memref<2x4096xf32, #tpu.memory_space<vmem>> -> memref<1x4096xf32, #tpu.memory_space<vmem>>
      %dma_start3A_121 = tpu.memref_squeeze %dma_start3A_120 : memref<1x4096xf32, #tpu.memory_space<vmem>> -> memref<4096xf32, #tpu.memory_space<vmem>>
      %dma_start3A_122 = arith.constant 0 : i32
      %dma_start3A_123 = tpu.memref_slice %arg5[%add3A_61, %dma_start3A_122] : memref<832x16384xf32, #tpu.memory_space<hbm>> -> memref<1x4096xf32, #tpu.memory_space<hbm>>
      %dma_start3A_124 = tpu.memref_squeeze %dma_start3A_123 : memref<1x4096xf32, #tpu.memory_space<hbm>> -> memref<4096xf32, #tpu.memory_space<hbm>>
      %dma_start3A_125 = arith.constant 0 : i32
      %dma_start3A_126 = tpu.memref_slice %arg5[%add3A_61, %dma_start3A_125] : memref<832x16384xf32, #tpu.memory_space<hbm>> -> memref<1x4096xf32, #tpu.memory_space<hbm>>
      %dma_start3A_127 = tpu.memref_squeeze %dma_start3A_126 : memref<1x4096xf32, #tpu.memory_space<hbm>> -> memref<4096xf32, #tpu.memory_space<hbm>>
      %dma_start3A_128 = arith.constant 0 : i32
      %dma_start3A_129 = tpu.memref_slice %arg8[%dma_start3A_118, %dma_start3A_128] : memref<2x4096xf32, #tpu.memory_space<vmem>> -> memref<1x4096xf32, #tpu.memory_space<vmem>>
      %dma_start3A_130 = tpu.memref_squeeze %dma_start3A_129 : memref<1x4096xf32, #tpu.memory_space<vmem>> -> memref<4096xf32, #tpu.memory_space<vmem>>
      tpu.enqueue_dma source(%dma_start3A_130 : memref<4096xf32, #tpu.memory_space<vmem>>) target(%dma_start3A_127 : memref<4096xf32, #tpu.memory_space<hbm>>) target_semaphore(%arg11 : memref<!tpu.dma_semaphore, #tpu.memory_space<semaphore_mem>>)
      %gt3A_131 = arith.constant 0 : i32
      %gt3A_132 = arith.cmpi sgt, %scan3A_59, %gt3A_131 : i32
      %convert_element_type3A_133 = arith.extui %gt3A_132 : i1 to i32
      %cond3A_134 = arith.constant 0 : i32
      %cond3A_135 = arith.cmpi ne, %convert_element_type3A_133, %cond3A_134 : i32
      scf.if %cond3A_135 {
        %dma_wait3A_215 = arith.constant 1 : i32
        %dma_wait3A_216 = arith.constant 0 : i32
        %dma_wait3A_217 = tpu.memref_slice %arg8[%dma_wait3A_215, %dma_wait3A_216] : memref<2x4096xf32, #tpu.memory_space<vmem>> -> memref<1x4096xf32, #tpu.memory_space<vmem>>
        %dma_wait3A_218 = tpu.memref_squeeze %dma_wait3A_217 : memref<1x4096xf32, #tpu.memory_space<vmem>> -> memref<4096xf32, #tpu.memory_space<vmem>>
        %dma_wait3A_219 = arith.constant 4096 : i32
        %dma_wait3A_220 = tpu.memref_slice %arg5[%add3A_61, %dma_wait3A_219] : memref<832x16384xf32, #tpu.memory_space<hbm>> -> memref<1x4096xf32, #tpu.memory_space<hbm>>
        %dma_wait3A_221 = tpu.memref_squeeze %dma_wait3A_220 : memref<1x4096xf32, #tpu.memory_space<hbm>> -> memref<4096xf32, #tpu.memory_space<hbm>>
        %dma_wait3A_222 = arith.constant 4096 : i32
        %dma_wait3A_223 = tpu.memref_slice %arg5[%add3A_61, %dma_wait3A_222] : memref<832x16384xf32, #tpu.memory_space<hbm>> -> memref<1x4096xf32, #tpu.memory_space<hbm>>
        %dma_wait3A_224 = tpu.memref_squeeze %dma_wait3A_223 : memref<1x4096xf32, #tpu.memory_space<hbm>> -> memref<4096xf32, #tpu.memory_space<hbm>>
        %dma_wait3A_225 = arith.constant 0 : i32
        %dma_wait3A_226 = tpu.memref_slice %arg8[%dma_wait3A_215, %dma_wait3A_225] : memref<2x4096xf32, #tpu.memory_space<vmem>> -> memref<1x4096xf32, #tpu.memory_space<vmem>>
        %dma_wait3A_227 = tpu.memref_squeeze %dma_wait3A_226 : memref<1x4096xf32, #tpu.memory_space<vmem>> -> memref<4096xf32, #tpu.memory_space<vmem>>
        tpu.wait_dma2 semaphore(%arg12 : memref<!tpu.dma_semaphore, #tpu.memory_space<semaphore_mem>>) src(%dma_wait3A_227 : memref<4096xf32, #tpu.memory_space<vmem>>) dst(%dma_wait3A_224 : memref<4096xf32, #tpu.memory_space<hbm>>)
      } else {
      }
      %parallel_loop3A_136 = arith.constant 0 : i32
      %parallel_loop3A_137 = arith.constant 4096 : i32
      %parallel_loop3A_138 = arith.constant 16 : i32
      scf.for %parallel_loop3A_215 = %parallel_loop3A_136 to %parallel_loop3A_137 step %parallel_loop3A_138  : i32 {
        %parallel_loop3A_216 = arith.constant 4096 : i32
        %parallel_loop3A_217 = arith.addi %parallel_loop3A_216, %parallel_loop3A_215 : i32
        %parallel_loop3A_218 = arith.index_cast %parallel_loop3A_217 : i32 to index
        %parallel_loop3A_219 = tpu.vector_load %arg7[%parallel_loop3A_218] {strides = array<i32>} : memref<16384xi32, #tpu.memory_space<vmem>>, vector<16xi32>,
        %parallel_loop3A_220 = tpu.vector_load_idx %arg6[%parallel_loop3A_219] : memref<100000xf32, #tpu.memory_space<vmem>>[vector<16xi32>], vector<16xf32>,
        %parallel_loop3A_221 = arith.addf %parallel_loop3A_220, %gather3A : vector<16xf32>
        %parallel_loop3A_222 = arith.constant 1 : i32
        %parallel_loop3A_223 = arith.index_cast %parallel_loop3A_222 : i32 to index
        %parallel_loop3A_224 = arith.index_cast %parallel_loop3A_215 : i32 to index
        %parallel_loop3A_225 = tpu.vector_load %arg8[%parallel_loop3A_223, %parallel_loop3A_224] {strides = array<i32>} : memref<2x4096xf32, #tpu.memory_space<vmem>>, vector<16xf32>,
        tpu.vector_store %arg8[%parallel_loop3A_223, %parallel_loop3A_224], %parallel_loop3A_221 {strides = array<i32>} : memref<2x4096xf32, #tpu.memory_space<vmem>>, vector<16xf32>,
      } {sc.loop_unroll_factor = 8 : i64, sc.parallel_access}
      %dma_start3A_139 = arith.constant 1 : i32
      %dma_start3A_140 = arith.constant 0 : i32
      %dma_start3A_141 = tpu.memref_slice %arg8[%dma_start3A_139, %dma_start3A_140] : memref<2x4096xf32, #tpu.memory_space<vmem>> -> memref<1x4096xf32, #tpu.memory_space<vmem>>
      %dma_start3A_142 = tpu.memref_squeeze %dma_start3A_141 : memref<1x4096xf32, #tpu.memory_space<vmem>> -> memref<4096xf32, #tpu.memory_space<vmem>>
      %dma_start3A_143 = arith.constant 4096 : i32
      %dma_start3A_144 = tpu.memref_slice %arg5[%add3A_61, %dma_start3A_143] : memref<832x16384xf32, #tpu.memory_space<hbm>> -> memref<1x4096xf32, #tpu.memory_space<hbm>>
      %dma_start3A_145 = tpu.memref_squeeze %dma_start3A_144 : memref<1x4096xf32, #tpu.memory_space<hbm>> -> memref<4096xf32, #tpu.memory_space<hbm>>
      %dma_start3A_146 = arith.constant 4096 : i32
      %dma_start3A_147 = tpu.memref_slice %arg5[%add3A_61, %dma_start3A_146] : memref<832x16384xf32, #tpu.memory_space<hbm>> -> memref<1x4096xf32, #tpu.memory_space<hbm>>
      %dma_start3A_148 = tpu.memref_squeeze %dma_start3A_147 : memref<1x4096xf32, #tpu.memory_space<hbm>> -> memref<4096xf32, #tpu.memory_space<hbm>>
      %dma_start3A_149 = arith.constant 0 : i32
      %dma_start3A_150 = tpu.memref_slice %arg8[%dma_start3A_139, %dma_start3A_149] : memref<2x4096xf32, #tpu.memory_space<vmem>> -> memref<1x4096xf32, #tpu.memory_space<vmem>>
      %dma_start3A_151 = tpu.memref_squeeze %dma_start3A_150 : memref<1x4096xf32, #tpu.memory_space<vmem>> -> memref<4096xf32, #tpu.memory_space<vmem>>
      tpu.enqueue_dma source(%dma_start3A_151 : memref<4096xf32, #tpu.memory_space<vmem>>) target(%dma_start3A_148 : memref<4096xf32, #tpu.memory_space<hbm>>) target_semaphore(%arg12 : memref<!tpu.dma_semaphore, #tpu.memory_space<semaphore_mem>>)
      %dma_wait3A_152 = arith.constant 0 : i32
      %dma_wait3A_153 = arith.constant 0 : i32
      %dma_wait3A_154 = tpu.memref_slice %arg8[%dma_wait3A_152, %dma_wait3A_153] : memref<2x4096xf32, #tpu.memory_space<vmem>> -> memref<1x4096xf32, #tpu.memory_space<vmem>>
      %dma_wait3A_155 = tpu.memref_squeeze %dma_wait3A_154 : memref<1x4096xf32, #tpu.memory_space<vmem>> -> memref<4096xf32, #tpu.memory_space<vmem>>
      %dma_wait3A_156 = arith.constant 8192 : i32
      %dma_wait3A_157 = tpu.memref_slice %arg5[%add3A_61, %dma_wait3A_156] : memref<832x16384xf32, #tpu.memory_space<hbm>> -> memref<1x4096xf32, #tpu.memory_space<hbm>>
      %dma_wait3A_158 = tpu.memref_squeeze %dma_wait3A_157 : memref<1x4096xf32, #tpu.memory_space<hbm>> -> memref<4096xf32, #tpu.memory_space<hbm>>
      %dma_wait3A_159 = arith.constant 8192 : i32
      %dma_wait3A_160 = tpu.memref_slice %arg5[%add3A_61, %dma_wait3A_159] : memref<832x16384xf32, #tpu.memory_space<hbm>> -> memref<1x4096xf32, #tpu.memory_space<hbm>>
      %dma_wait3A_161 = tpu.memref_squeeze %dma_wait3A_160 : memref<1x4096xf32, #tpu.memory_space<hbm>> -> memref<4096xf32, #tpu.memory_space<hbm>>
      %dma_wait3A_162 = arith.constant 0 : i32
      %dma_wait3A_163 = tpu.memref_slice %arg8[%dma_wait3A_152, %dma_wait3A_162] : memref<2x4096xf32, #tpu.memory_space<vmem>> -> memref<1x4096xf32, #tpu.memory_space<vmem>>
      %dma_wait3A_164 = tpu.memref_squeeze %dma_wait3A_163 : memref<1x4096xf32, #tpu.memory_space<vmem>> -> memref<4096xf32, #tpu.memory_space<vmem>>
      tpu.wait_dma2 semaphore(%arg11 : memref<!tpu.dma_semaphore, #tpu.memory_space<semaphore_mem>>) src(%dma_wait3A_164 : memref<4096xf32, #tpu.memory_space<vmem>>) dst(%dma_wait3A_161 : memref<4096xf32, #tpu.memory_space<hbm>>)
      %parallel_loop3A_165 = arith.constant 0 : i32
      %parallel_loop3A_166 = arith.constant 4096 : i32
      %parallel_loop3A_167 = arith.constant 16 : i32
      scf.for %parallel_loop3A_215 = %parallel_loop3A_165 to %parallel_loop3A_166 step %parallel_loop3A_167  : i32 {
        %parallel_loop3A_216 = arith.constant 8192 : i32
        %parallel_loop3A_217 = arith.addi %parallel_loop3A_216, %parallel_loop3A_215 : i32
        %parallel_loop3A_218 = arith.index_cast %parallel_loop3A_217 : i32 to index
        %parallel_loop3A_219 = tpu.vector_load %arg7[%parallel_loop3A_218] {strides = array<i32>} : memref<16384xi32, #tpu.memory_space<vmem>>, vector<16xi32>,
        %parallel_loop3A_220 = tpu.vector_load_idx %arg6[%parallel_loop3A_219] : memref<100000xf32, #tpu.memory_space<vmem>>[vector<16xi32>], vector<16xf32>,
        %parallel_loop3A_221 = arith.addf %parallel_loop3A_220, %gather3A : vector<16xf32>
        %parallel_loop3A_222 = arith.constant 0 : i32
        %parallel_loop3A_223 = arith.index_cast %parallel_loop3A_222 : i32 to index
        %parallel_loop3A_224 = arith.index_cast %parallel_loop3A_215 : i32 to index
        %parallel_loop3A_225 = tpu.vector_load %arg8[%parallel_loop3A_223, %parallel_loop3A_224] {strides = array<i32>} : memref<2x4096xf32, #tpu.memory_space<vmem>>, vector<16xf32>,
        tpu.vector_store %arg8[%parallel_loop3A_223, %parallel_loop3A_224], %parallel_loop3A_221 {strides = array<i32>} : memref<2x4096xf32, #tpu.memory_space<vmem>>, vector<16xf32>,
      } {sc.loop_unroll_factor = 8 : i64, sc.parallel_access}
      %dma_start3A_168 = arith.constant 0 : i32
      %dma_start3A_169 = arith.constant 0 : i32
      %dma_start3A_170 = tpu.memref_slice %arg8[%dma_start3A_168, %dma_start3A_169] : memref<2x4096xf32, #tpu.memory_space<vmem>> -> memref<1x4096xf32, #tpu.memory_space<vmem>>
      %dma_start3A_171 = tpu.memref_squeeze %dma_start3A_170 : memref<1x4096xf32, #tpu.memory_space<vmem>> -> memref<4096xf32, #tpu.memory_space<vmem>>
      %dma_start3A_172 = arith.constant 8192 : i32
      %dma_start3A_173 = tpu.memref_slice %arg5[%add3A_61, %dma_start3A_172] : memref<832x16384xf32, #tpu.memory_space<hbm>> -> memref<1x4096xf32, #tpu.memory_space<hbm>>
      %dma_start3A_174 = tpu.memref_squeeze %dma_start3A_173 : memref<1x4096xf32, #tpu.memory_space<hbm>> -> memref<4096xf32, #tpu.memory_space<hbm>>
      %dma_start3A_175 = arith.constant 8192 : i32
      %dma_start3A_176 = tpu.memref_slice %arg5[%add3A_61, %dma_start3A_175] : memref<832x16384xf32, #tpu.memory_space<hbm>> -> memref<1x4096xf32, #tpu.memory_space<hbm>>
      %dma_start3A_177 = tpu.memref_squeeze %dma_start3A_176 : memref<1x4096xf32, #tpu.memory_space<hbm>> -> memref<4096xf32, #tpu.memory_space<hbm>>
      %dma_start3A_178 = arith.constant 0 : i32
      %dma_start3A_179 = tpu.memref_slice %arg8[%dma_start3A_168, %dma_start3A_178] : memref<2x4096xf32, #tpu.memory_space<vmem>> -> memref<1x4096xf32, #tpu.memory_space<vmem>>
      %dma_start3A_180 = tpu.memref_squeeze %dma_start3A_179 : memref<1x4096xf32, #tpu.memory_space<vmem>> -> memref<4096xf32, #tpu.memory_space<vmem>>
      tpu.enqueue_dma source(%dma_start3A_180 : memref<4096xf32, #tpu.memory_space<vmem>>) target(%dma_start3A_177 : memref<4096xf32, #tpu.memory_space<hbm>>) target_semaphore(%arg11 : memref<!tpu.dma_semaphore, #tpu.memory_space<semaphore_mem>>)
      %dma_wait3A_181 = arith.constant 1 : i32
      %dma_wait3A_182 = arith.constant 0 : i32
      %dma_wait3A_183 = tpu.memref_slice %arg8[%dma_wait3A_181, %dma_wait3A_182] : memref<2x4096xf32, #tpu.memory_space<vmem>> -> memref<1x4096xf32, #tpu.memory_space<vmem>>
      %dma_wait3A_184 = tpu.memref_squeeze %dma_wait3A_183 : memref<1x4096xf32, #tpu.memory_space<vmem>> -> memref<4096xf32, #tpu.memory_space<vmem>>
      %dma_wait3A_185 = arith.constant 12288 : i32
      %dma_wait3A_186 = tpu.memref_slice %arg5[%add3A_61, %dma_wait3A_185] : memref<832x16384xf32, #tpu.memory_space<hbm>> -> memref<1x4096xf32, #tpu.memory_space<hbm>>
      %dma_wait3A_187 = tpu.memref_squeeze %dma_wait3A_186 : memref<1x4096xf32, #tpu.memory_space<hbm>> -> memref<4096xf32, #tpu.memory_space<hbm>>
      %dma_wait3A_188 = arith.constant 12288 : i32
      %dma_wait3A_189 = tpu.memref_slice %arg5[%add3A_61, %dma_wait3A_188] : memref<832x16384xf32, #tpu.memory_space<hbm>> -> memref<1x4096xf32, #tpu.memory_space<hbm>>
      %dma_wait3A_190 = tpu.memref_squeeze %dma_wait3A_189 : memref<1x4096xf32, #tpu.memory_space<hbm>> -> memref<4096xf32, #tpu.memory_space<hbm>>
      %dma_wait3A_191 = arith.constant 0 : i32
      %dma_wait3A_192 = tpu.memref_slice %arg8[%dma_wait3A_181, %dma_wait3A_191] : memref<2x4096xf32, #tpu.memory_space<vmem>> -> memref<1x4096xf32, #tpu.memory_space<vmem>>
      %dma_wait3A_193 = tpu.memref_squeeze %dma_wait3A_192 : memref<1x4096xf32, #tpu.memory_space<vmem>> -> memref<4096xf32, #tpu.memory_space<vmem>>
      tpu.wait_dma2 semaphore(%arg12 : memref<!tpu.dma_semaphore, #tpu.memory_space<semaphore_mem>>) src(%dma_wait3A_193 : memref<4096xf32, #tpu.memory_space<vmem>>) dst(%dma_wait3A_190 : memref<4096xf32, #tpu.memory_space<hbm>>)
      %parallel_loop3A_194 = arith.constant 0 : i32
      %parallel_loop3A_195 = arith.constant 4096 : i32
      %parallel_loop3A_196 = arith.constant 16 : i32
      scf.for %parallel_loop3A_215 = %parallel_loop3A_194 to %parallel_loop3A_195 step %parallel_loop3A_196  : i32 {
        %parallel_loop3A_216 = arith.constant 12288 : i32
        %parallel_loop3A_217 = arith.addi %parallel_loop3A_216, %parallel_loop3A_215 : i32
        %parallel_loop3A_218 = arith.index_cast %parallel_loop3A_217 : i32 to index
        %parallel_loop3A_219 = tpu.vector_load %arg7[%parallel_loop3A_218] {strides = array<i32>} : memref<16384xi32, #tpu.memory_space<vmem>>, vector<16xi32>,
        %parallel_loop3A_220 = tpu.vector_load_idx %arg6[%parallel_loop3A_219] : memref<100000xf32, #tpu.memory_space<vmem>>[vector<16xi32>], vector<16xf32>,
        %parallel_loop3A_221 = arith.addf %parallel_loop3A_220, %gather3A : vector<16xf32>
        %parallel_loop3A_222 = arith.constant 1 : i32
        %parallel_loop3A_223 = arith.index_cast %parallel_loop3A_222 : i32 to index
        %parallel_loop3A_224 = arith.index_cast %parallel_loop3A_215 : i32 to index
        %parallel_loop3A_225 = tpu.vector_load %arg8[%parallel_loop3A_223, %parallel_loop3A_224] {strides = array<i32>} : memref<2x4096xf32, #tpu.memory_space<vmem>>, vector<16xf32>,
        tpu.vector_store %arg8[%parallel_loop3A_223, %parallel_loop3A_224], %parallel_loop3A_221 {strides = array<i32>} : memref<2x4096xf32, #tpu.memory_space<vmem>>, vector<16xf32>,
      } {sc.loop_unroll_factor = 8 : i64, sc.parallel_access}
      %dma_start3A_197 = arith.constant 1 : i32
      %dma_start3A_198 = arith.constant 0 : i32
      %dma_start3A_199 = tpu.memref_slice %arg8[%dma_start3A_197, %dma_start3A_198] : memref<2x4096xf32, #tpu.memory_space<vmem>> -> memref<1x4096xf32, #tpu.memory_space<vmem>>
      %dma_start3A_200 = tpu.memref_squeeze %dma_start3A_199 : memref<1x4096xf32, #tpu.memory_space<vmem>> -> memref<4096xf32, #tpu.memory_space<vmem>>
      %dma_start3A_201 = arith.constant 12288 : i32
      %dma_start3A_202 = tpu.memref_slice %arg5[%add3A_61, %dma_start3A_201] : memref<832x16384xf32, #tpu.memory_space<hbm>> -> memref<1x4096xf32, #tpu.memory_space<hbm>>
      %dma_start3A_203 = tpu.memref_squeeze %dma_start3A_202 : memref<1x4096xf32, #tpu.memory_space<hbm>> -> memref<4096xf32, #tpu.memory_space<hbm>>
      %dma_start3A_204 = arith.constant 12288 : i32
      %dma_start3A_205 = tpu.memref_slice %arg5[%add3A_61, %dma_start3A_204] : memref<832x16384xf32, #tpu.memory_space<hbm>> -> memref<1x4096xf32, #tpu.memory_space<hbm>>
      %dma_start3A_206 = tpu.memref_squeeze %dma_start3A_205 : memref<1x4096xf32, #tpu.memory_space<hbm>> -> memref<4096xf32, #tpu.memory_space<hbm>>
      %dma_start3A_207 = arith.constant 0 : i32
      %dma_start3A_208 = tpu.memref_slice %arg8[%dma_start3A_197, %dma_start3A_207] : memref<2x4096xf32, #tpu.memory_space<vmem>> -> memref<1x4096xf32, #tpu.memory_space<vmem>>
      %dma_start3A_209 = tpu.memref_squeeze %dma_start3A_208 : memref<1x4096xf32, #tpu.memory_space<vmem>> -> memref<4096xf32, #tpu.memory_space<vmem>>
      tpu.enqueue_dma source(%dma_start3A_209 : memref<4096xf32, #tpu.memory_space<vmem>>) target(%dma_start3A_206 : memref<4096xf32, #tpu.memory_space<hbm>>) target_semaphore(%arg12 : memref<!tpu.dma_semaphore, #tpu.memory_space<semaphore_mem>>)
      %lt3A_210 = arith.constant 25 : i32
      %lt3A_211 = arith.cmpi slt, %scan3A_59, %lt3A_210 : i32
      %convert_element_type3A_212 = arith.extui %lt3A_211 : i1 to i32
      %cond3A_213 = arith.constant 0 : i32
      %cond3A_214 = arith.cmpi ne, %convert_element_type3A_212, %cond3A_213 : i32
      scf.if %cond3A_214 {
        %add3A_215 = arith.constant 1 : i32
        %add3A_216 = arith.addi %add3A_61, %add3A_215 : i32
        %dma_start3A_217 = arith.constant 0 : i32
        %dma_start3A_218 = tpu.memref_slice %arg3[%add3A_216, %dma_start3A_217] : memref<832x100000xf32, #tpu.memory_space<hbm>> -> memref<1x100000xf32, #tpu.memory_space<hbm>>
        %dma_start3A_219 = tpu.memref_squeeze %dma_start3A_218 : memref<1x100000xf32, #tpu.memory_space<hbm>> -> memref<100000xf32, #tpu.memory_space<hbm>>
        %dma_start3A_220 = arith.constant 0 : i32
        %dma_start3A_221 = tpu.memref_slice %arg3[%add3A_216, %dma_start3A_220] : memref<832x100000xf32, #tpu.memory_space<hbm>> -> memref<1x100000xf32, #tpu.memory_space<hbm>>
        %dma_start3A_222 = tpu.memref_squeeze %dma_start3A_221 : memref<1x100000xf32, #tpu.memory_space<hbm>> -> memref<100000xf32, #tpu.memory_space<hbm>>
        tpu.enqueue_dma source(%dma_start3A_222 : memref<100000xf32, #tpu.memory_space<hbm>>) target(%arg6 : memref<100000xf32, #tpu.memory_space<vmem>>) target_semaphore(%arg10 : memref<!tpu.dma_semaphore, #tpu.memory_space<semaphore_mem>>)
      } else {
      }
      scf.yield %select_n3A_85 : i32
    }
    %scan3A_29 = arith.constant 26 : i32
    %add3A_30 = arith.constant 26 : i32
    %add3A_31 = arith.addi %mul3A_2, %add3A_30 : i32
    %sub3A_32 = arith.constant 1 : i32
    %sub3A_33 = arith.subi %add3A_31, %sub3A_32 : i32
    %dma_wait3A = arith.constant 0 : i32
    %dma_wait3A_34 = arith.constant 0 : i32
    %dma_wait3A_35 = tpu.memref_slice %arg8[%dma_wait3A, %dma_wait3A_34] : memref<2x4096xf32, #tpu.memory_space<vmem>> -> memref<1x4096xf32, #tpu.memory_space<vmem>>
    %dma_wait3A_36 = tpu.memref_squeeze %dma_wait3A_35 : memref<1x4096xf32, #tpu.memory_space<vmem>> -> memref<4096xf32, #tpu.memory_space<vmem>>
    %dma_wait3A_37 = arith.constant 0 : i32
    %dma_wait3A_38 = tpu.memref_slice %arg5[%sub3A_33, %dma_wait3A_37] : memref<832x16384xf32, #tpu.memory_space<hbm>> -> memref<1x4096xf32, #tpu.memory_space<hbm>>
    %dma_wait3A_39 = tpu.memref_squeeze %dma_wait3A_38 : memref<1x4096xf32, #tpu.memory_space<hbm>> -> memref<4096xf32, #tpu.memory_space<hbm>>
    %dma_wait3A_40 = arith.constant 0 : i32
    %dma_wait3A_41 = tpu.memref_slice %arg5[%sub3A_33, %dma_wait3A_40] : memref<832x16384xf32, #tpu.memory_space<hbm>> -> memref<1x4096xf32, #tpu.memory_space<hbm>>
    %dma_wait3A_42 = tpu.memref_squeeze %dma_wait3A_41 : memref<1x4096xf32, #tpu.memory_space<hbm>> -> memref<4096xf32, #tpu.memory_space<hbm>>
    %dma_wait3A_43 = arith.constant 0 : i32
    %dma_wait3A_44 = tpu.memref_slice %arg8[%dma_wait3A, %dma_wait3A_43] : memref<2x4096xf32, #tpu.memory_space<vmem>> -> memref<1x4096xf32, #tpu.memory_space<vmem>>
    %dma_wait3A_45 = tpu.memref_squeeze %dma_wait3A_44 : memref<1x4096xf32, #tpu.memory_space<vmem>> -> memref<4096xf32, #tpu.memory_space<vmem>>
    tpu.wait_dma2 semaphore(%arg11 : memref<!tpu.dma_semaphore, #tpu.memory_space<semaphore_mem>>) src(%dma_wait3A_45 : memref<4096xf32, #tpu.memory_space<vmem>>) dst(%dma_wait3A_42 : memref<4096xf32, #tpu.memory_space<hbm>>)
    %dma_wait3A_46 = arith.constant 1 : i32
    %dma_wait3A_47 = arith.constant 0 : i32
    %dma_wait3A_48 = tpu.memref_slice %arg8[%dma_wait3A_46, %dma_wait3A_47] : memref<2x4096xf32, #tpu.memory_space<vmem>> -> memref<1x4096xf32, #tpu.memory_space<vmem>>
    %dma_wait3A_49 = tpu.memref_squeeze %dma_wait3A_48 : memref<1x4096xf32, #tpu.memory_space<vmem>> -> memref<4096xf32, #tpu.memory_space<vmem>>
    %dma_wait3A_50 = arith.constant 4096 : i32
    %dma_wait3A_51 = tpu.memref_slice %arg5[%sub3A_33, %dma_wait3A_50] : memref<832x16384xf32, #tpu.memory_space<hbm>> -> memref<1x4096xf32, #tpu.memory_space<hbm>>
    %dma_wait3A_52 = tpu.memref_squeeze %dma_wait3A_51 : memref<1x4096xf32, #tpu.memory_space<hbm>> -> memref<4096xf32, #tpu.memory_space<hbm>>
    %dma_wait3A_53 = arith.constant 4096 : i32
    %dma_wait3A_54 = tpu.memref_slice %arg5[%sub3A_33, %dma_wait3A_53] : memref<832x16384xf32, #tpu.memory_space<hbm>> -> memref<1x4096xf32, #tpu.memory_space<hbm>>
    %dma_wait3A_55 = tpu.memref_squeeze %dma_wait3A_54 : memref<1x4096xf32, #tpu.memory_space<hbm>> -> memref<4096xf32, #tpu.memory_space<hbm>>
    %dma_wait3A_56 = arith.constant 0 : i32
    %dma_wait3A_57 = tpu.memref_slice %arg8[%dma_wait3A_46, %dma_wait3A_56] : memref<2x4096xf32, #tpu.memory_space<vmem>> -> memref<1x4096xf32, #tpu.memory_space<vmem>>
    %dma_wait3A_58 = tpu.memref_squeeze %dma_wait3A_57 : memref<1x4096xf32, #tpu.memory_space<vmem>> -> memref<4096xf32, #tpu.memory_space<vmem>>
    tpu.wait_dma2 semaphore(%arg12 : memref<!tpu.dma_semaphore, #tpu.memory_space<semaphore_mem>>) src(%dma_wait3A_58 : memref<4096xf32, #tpu.memory_space<vmem>>) dst(%dma_wait3A_55 : memref<4096xf32, #tpu.memory_space<hbm>>)
    return
  }
}

</mosaic_0001>

<sc_bundles>
// kernel: _run.3.cloned.1.call-start
scs
__scs_entry_jumppad:
0x0: {  	(pc) =	sbr.rel $0x88, $3  }
0x1: {  	(tag) =	ssettag $0x0;
	lr =	simm.s32 $0x1  }
0x2: {  	[smem:$0x3F9E] =	sst lr;
	_ =	strace $0xD0000000  }
0x3: {  	_ = 	snop  }
0x4: {  	_ = 	snop  }
0x5: {  	_ = 	snop  }
0x6: {  	_ = 	snop  }
0x7: {  	_ = 	snop  }
__scs_overlays_trampoline_lowered:
0x8: {  	[smem:$0x3FAD] =	sst s0  }
0x9: {  	[smem:$0x3FAE] =	sst s1  }
0xa: {  	[smem:$0x3FAF] =	sst s2  }
0xb: {  	[smem:$0x3FB0] =	sst s3  }
0xc: {  	[smem:$0x3FB1] =	sst s4  }
0xd: {  	[smem:$0x3FB2] =	sst s5  }
0xe: {  	[smem:$0x3FB3] =	sst s6  }
0xf: {  	[smem:$0x3FB4] =	sst s7  }
0x10: {  	[smem:$0x3FB5] =	sst s8  }
0x11: {  	[smem:$0x3FB6] =	sst s9;
	s0 =	simm.s32 @!p0 $0x0  }
0x12: {  	s1 =	sld [smem:$0x3F9C];
	s0 =	simm.s32 @p0 $0x1  }
0x13: {  	[smem:$0x3FB7] =	sst s0;
	s0 =	simm.s32 @!p1 $0x0  }
0x14: {  	s2 =	sld [smem:$0x3F9B];
	s0 =	simm.s32 @p1 $0x1  }
0x15: {  	[smem:$0x3FB8] =	sst s0;
	s0 =	simm.s32 @!p2 $0x0  }
0x16: {  	s3 =	sld [smem:$0x3FDB];
	s0 =	simm.s32 @p2 $0x1  }
0x17: {  	s4 =	simm.s32 $0x1BF5;
	[smem:$0x3FBA] =	sst s0  }
0x18: {  	s0 =	sld [smem:$0x3F9D];
	_ =	swait.ge [sflag:s4], $0x0  }
0x19: {  	s7 =	sld [smem:$0x3F9E]  }
0x1a: {  	s8 =	sadd.s32 $0xFFFFE003, lr  }
0x1b: {  	s9 =	sadd.s32 $0xFFFFFEF7, lr;
	s5 =	simm.s32 $0xFFFFFFFF;
	p2 =	slt.u32 s8, $0xFFFFF086  }
0x1c: {  	p1 =	slt.u32 s9, $0xF7A;
	s5 =	simm.s32 @!p2 $0x0  }
0x1d: {  	s5 =	simm.s32 @p1 $0x1;
	p0 =	seq.s32 s7, s2  }
0x1e: {  	s7 =	smul.u32 @!p0 $0xF7A, s2;
	p2 =	seq.s32 @!p0 s5, $0x0  }
0x1f: {  	s9 =	smul.u32 $0xF7A, s1;
	s8 =	simm.s32 @!p0 $0x1BF5;
	p2 =	por !p2, p0  }
0x20: {  	[sflag:s8] =	ssyncset.s32 @!p0 $0xFFFFF086;
	s6 =	sadd.s32 @!p0 s3, s7;
	s7 =	simm.s32 @!p0 $0x108  }
0x21: {  	s3 =	sadd.s32 s3, s9;
	s6 =	sadd.s32 @!p0 $0x88, s6;
	s7 =	simm.s32 @p2 $0x1082  }
0x22: {  	[simem:s7], [sflag:s8] =	dma.local @!p0 [hbm:s6], $0xF7A  }
0x23: {  	s9 =	sor.u32 $0xD0000000, s2;
	s6 =	simm.s32 $0x108;
	_ =	swait.ge @!p0 [sflag:s8], $0x0  }
0x24: {  	s3 =	sadd.s32 $0x88, s3;
	s6 =	simm.s32 @!p1 $0x1082;
	[sflag:s4] =	ssyncset.s32 $0xFFFFF086  }
0x25: {  	[simem:s6], [sflag:s4] =	dma.local [hbm:s3], $0xF7A  }
0x26: {  	[smem:$0x3F9E] =	sst s1;
	(tag) =	ssettag s2;
	_ =	strace s9  }
0x27: {  	s1 =	sld [smem:$0x3FAE]  }
0x28: {  	s2 =	sld [smem:$0x3FAF]  }
0x29: {  	s4 =	sld [smem:$0x3FB1]  }
0x2a: {  	p0 =	seq.s32 s5, $0x0;
	s5 =	sld [smem:$0x3FB2]  }
0x2b: {  	s6 =	sld [smem:$0x3FB3]  }
0x2c: {  	s7 =	sld [smem:$0x3FB4]  }
0x2d: {  	s3 =	simm.s32 $0x108;
	s8 =	sld [smem:$0x3FB5]  }
0x2e: {  	s3 =	simm.s32 @!p0 $0x1082;
	s9 =	sld [smem:$0x3FB6]  }
0x2f: {  	lr =	sadd.s32 s0, s3;
	s0 =	sld [smem:$0x3FAD]  }
0x30: {  	s3 =	sld [smem:$0x3FB0]  }
0x31: {  	[smem:$0x3FB9] =	sst s10  }
0x32: {  	s10 =	sld [smem:$0x3FB7];
	_ =	sdelay $0x3  }
0x33: {  	p0 =	seq.s32 s10, $0x1;
	s10 =	sld [smem:$0x3FB9];
	_ =	sdelay $0x3  }
0x34: {  	[smem:$0x3FB9] =	sst s10  }
0x35: {  	s10 =	sld [smem:$0x3FB8];
	_ =	sdelay $0x3  }
0x36: {  	p1 =	seq.s32 s10, $0x1;
	s10 =	sld [smem:$0x3FB9];
	_ =	sdelay $0x3  }
0x37: {  	[smem:$0x3FB9] =	sst s10  }
0x38: {  	s10 =	sld [smem:$0x3FBA]  }
0x39: {  	_ = 	snop;
	(pc) =	sbr.ind lr, $3  }
0x3a: {  	_ = 	snop  }
0x3b: {  	_ = 	snop  }
0x3c: {  	p2 =	seq.s32 s10, $0x1;
	s10 =	sld [smem:$0x3FB9]  }
0x3d: {  	_ =	shalt  }
0x3e: {  	_ =	shalt  }
0x3f: {  	_ =	shalt  }
0x40: {  	_ =	shalt  }
0x41: {  	_ =	shalt  }
0x42: {  	_ =	shalt  }
0x43: {  	_ =	shalt  }
0x44: {  	_ =	shalt  }
0x45: {  	_ =	shalt  }
0x46: {  	_ =	shalt  }
0x47: {  	_ =	shalt  }
0x48: {  	_ =	shalt  }
0x49: {  	_ =	shalt  }
0x4a: {  	_ =	shalt  }
0x4b: {  	_ =	shalt  }
0x4c: {  	_ =	shalt  }
0x4d: {  	_ =	shalt  }
0x4e: {  	_ =	shalt  }
0x4f: {  	_ =	shalt  }
0x50: {  	_ =	shalt  }
0x51: {  	_ =	shalt  }
0x52: {  	_ =	shalt  }
0x53: {  	_ =	shalt  }
0x54: {  	_ =	shalt  }
0x55: {  	_ =	shalt  }
0x56: {  	_ =	shalt  }
0x57: {  	_ =	shalt  }
0x58: {  	_ =	shalt  }
0x59: {  	_ =	shalt  }
0x5a: {  	_ =	shalt  }
0x5b: {  	_ =	shalt  }
0x5c: {  	_ =	shalt  }
0x5d: {  	_ =	shalt  }
0x5e: {  	_ =	shalt  }
0x5f: {  	_ =	shalt  }
0x60: {  	_ =	shalt  }
0x61: {  	_ =	shalt  }
0x62: {  	_ =	shalt  }
0x63: {  	_ =	shalt  }
0x64: {  	_ =	shalt  }
0x65: {  	_ =	shalt  }
0x66: {  	_ =	shalt  }
0x67: {  	_ =	shalt  }
0x68: {  	_ =	shalt  }
0x69: {  	_ =	shalt  }
0x6a: {  	_ =	shalt  }
0x6b: {  	_ =	shalt  }
0x6c: {  	_ =	shalt  }
0x6d: {  	_ =	shalt  }
0x6e: {  	_ =	shalt  }
0x6f: {  	_ =	shalt  }
0x70: {  	_ =	shalt  }
0x71: {  	_ =	shalt  }
0x72: {  	_ =	shalt  }
0x73: {  	_ =	shalt  }
0x74: {  	_ =	shalt  }
0x75: {  	_ =	shalt  }
0x76: {  	_ =	shalt  }
0x77: {  	_ =	shalt  }
0x78: {  	_ =	shalt  }
0x79: {  	_ =	shalt  }
0x7a: {  	_ =	shalt  }
0x7b: {  	_ =	shalt  }
0x7c: {  	_ =	shalt  }
0x7d: {  	_ =	shalt  }
0x7e: {  	_ =	shalt  }
0x7f: {  	_ =	shalt  }
0x80: {  	_ =	shalt  }
0x81: {  	_ =	shalt  }
0x82: {  	_ =	shalt  }
0x83: {  	_ =	shalt  }
0x84: {  	_ =	shalt  }
0x85: {  	_ =	shalt  }
0x86: {  	_ =	shalt  }
0x87: {  	_ =	shalt  }
.Lfunc_end0:
.L_simem_size_0:
called_computation_lowered:
.L_overlay_start_0:
0x88: {  	s2 =	sld [smem:$0x3FD9]  }
0x89: {  	s3 =	sld [smem:$0x3FFE];
	_ =	sdelay $0x1  }
0x8a: {  	s1 =	srdreg.scid  }
0x8b: {  	s0 =	sand.u32 $0x1, s1  }
0x8c: {  	s18 =	sshll.u32 s0, $0xA;
	s2 =	sadd.s32 s3, s2  }
0x8d: {  	s2 =	sadd.s32 s2, s18  }
0x8e: {  	[smem:$0x3FC5] =	sst s2  }
0x8f: {  	_ = 	snop  }
0x90: {  	s2 =	sld [smem:$0x3FC9]  }
0x91: {  	s19 =	sld [smem:$0x3FC8]  }
0x92: {  	s4 =	sld [smem:$0x3FC7]  }
0x93: {  	s5 =	sld [smem:$0x3FD0];
	(tm) =	ssettm $0x1  }
0x94: {  	s6 =	sld [smem:$0x3FFB];
	_ =	sdelay $0x3  }
0x95: {  	_ =	strace s6  }
0x96: {  	s6 =	sld [smem:$0x3FFC];
	_ =	sdelay $0x3  }
0x97: {  	_ =	strace s6  }
0x98: {  	s6 =	sld [smem:$0x3FFD];
	_ =	sdelay $0x3  }
0x99: {  	_ =	strace s6  }
0x9a: {  	_ =	strace $0x8FFFFFFF  }
0x9b: {  	s20 =	sld [smem:$0x3FDB];
	_ =	sdelay $0x1  }
0x9c: {  	s7 =	simm.s32 $_scs_section_size  }
0x9d: {  	s8 =	simm.s32 $_size__tile_overlayer_lowered;
	s9 =	simm.s32 $_tile_overlayer_lowered  }
0x9e: {  	s23 =	simm.s32 $0x1BFF;
	s22 =	sshll.u32 s9, $0x1;
	s6 =	sadd.s32 s7, s20  }
0x9f: {  	s10 =	simm.s32 $0x0;
	s21 =	sshll.u32 s8, $0x1;
	s8 =	sadd.s32 s22, s6  }
0xa0: {  	[timem:s10], [sflag:s23] =	dma.local [hbm:s8], s21  }
0xa1: {  	_ =	swait.ge [sflag:s23], s21  }
0xa2: {  	s7 =	ssub.s32 $0x0, s21;
	[sflag:s23] =	ssyncset.done $0x0  }
0xa3: {  	[sflag:s23] =	ssyncadd.s32 s7;
	_ =	sdelay $0x1  }
0xa4: {  	s24 =	simm.s32 $0x1B8B  }
0xa5: {  	_ =	swait.ge [sflag:s24], $0x1  }
0xa6: {  	[sflag:s24] =	ssyncset.done $0x0  }
0xa7: {  	s25 =	simm.s32 $0x1B8E;
	[sflag:s24] =	ssyncadd.s32 $0xFFFFFFFF  }
0xa8: {  	s26 =	simm.s32 $execute0_lowered;
	[smem:$0x3FD2] =	sst s25  }
0xa9: {  	s7 =	sshll.u32 s26, $0x1;
	_ =	strace $0x80000046;
	[dreg:$0x1] =	wrdreg $0xFFFFFFFF  }
0xaa: {  	s28 =	simm.s32 $_size_execute0_lowered;
	s6 =	sadd.s32 s6, s7;
	[dreg:$0x0] =	wrdreg $0x0  }
0xab: {  	s7 =	sshll.u32 s28, $0x1;
	[dreg:$0x2] =	wrdreg s6  }
0xac: {  	[dreg:$0x3] =	wrdreg s7  }
0xad: {  	[dreg:$0x4] =	wrdreg $0xC0  }
0xae: {  	_ =	task [dreg:s10], $0x5FFFF  }
0xaf: {  	[dreg:$0x1] =	wrdreg $0xFFFFFFFF  }
0xb0: {  	[dreg:$0x0] =	wrdreg $0x60  }
0xb1: {  	[dreg:$0x2] =	wrdreg s2  }
0xb2: {  	[dreg:$0x3] =	wrdreg s19  }
0xb3: {  	[dreg:$0x4] =	wrdreg s4  }
0xb4: {  	[dreg:$0x5] =	wrdreg s5  }
0xb5: {  	[dreg:$0x6] =	wrdreg $0x9  }
0xb6: {  	_ =	task.clear_ibuf [dreg:s10], $0x7FFFF;
	_ =	strace $0x90000046  }
0xb7: {  	s29 =	simm.s32 $0x9;
	_ =	strace $0x80000048  }
0xb8: {  	_ =	swait.ge [sflag:s29], $0x1  }
0xb9: {  	[sflag:s29] =	ssyncadd.s32 $0xFFFFFFFF  }
0xba: {  	_ =	strace $0x90000048  }
0xbb: {  	_ =	sfence  }
0xbc: {  	s30 =	sld [smem:$0x0];
	_ =	sdelay $0x2  }
0xbd: {  	s31 =	sshll.u32 s1, $0xD;
	s1 =	sshrl.u32 s1, $0x2  }
0xbe: {  	s3 =	sand.u32 $0x4000, s31;
	s1 =	sadd.s32 s1, s30  }
0xbf: {  	s0 =	sor.u32 s3, s0;
	s1 =	sshll.u32 s1, $0x11  }
0xc0: {  	s0 =	sor.u32 s1, s0  }
0xc1: {  	s0 =	sadd.s32 $0x8F2B, s0  }
0xc2: {  	[sflag:s0] =	ssyncadd.remote.s32 $0x1  }
0xc3: {  	_ =	sfence.sel $0xFFFF  }
0xc4: {  	[dreg:$0x0] =	wrdreg $0xFFFFFFFF;
	(pc) =	sbr.abs _section_cstart, $3  }
0xc5: {  	[dreg:$0x1] =	wrdreg $0xFFFFFFFF  }
0xc6: {  	_ =	task.clear_ibuf [dreg:s10], $0x2FFFF;
	_ =	strace $0x9FFFFFFF  }
0xc7: {  	(tm) =	ssettm $0x7FFFFFFF  }
tec
execute0_lowered:
.L_overlay_start_1:
0x0: {  	(tag) =	ssettag $0x1  }
0x1: {  	s1 =	rddreg [dreg:$0x0]  }
0x2: {  	s2 =	rddreg [dreg:$0x1];
	s0 =	srdreg.scid  }
0x3: {  	s3 =	stileid.u32;
	s4 =	rddreg [dreg:$0x2]  }
0x4: {  	s5 =	rddreg [dreg:$0x3];
	s6 =	simm.s32 $0x0;
	s15 =	simm.s32 $0x1E700  }
0x5: {  	s16 =	simm.s32 $0x4;
	s17 =	simm.s32 $0x80;
	s18 =	simm.s32 $0x400  }
0x6: {  	s19 =	simm.s32 $0x18700;
	s0 =	sand.u32 $0x1, s0;
	s3 =	sshll.u32 s3, $0x1  }
0x7: {  	s20 =	simm.s32 $0x1;
	s21 =	simm.s32 $0x2;
	s3 =	sor.u32 s0, s3  }
0x8: {  	s22 =	simm.s32 $0x3;
	s23 =	simm.s32 $0x0;
	s7 =	smul.u32 $0x1A, s3  }
0x9: {  	[smem:$0x7FF] =	sst s6;
	s12 =	sadd.s32 $0x2000, s5;
	s13 =	sadd.s32 $0x3000, s5  }
0xa: {  	s0 =	ssub.s32 $0x2, s0;
	_ =	strace $0x80000047;
	s9 =	sshrl.u32 s7, $0x3  }
0xb: {  	s8 =	sshrl.u32 s0, $0x1;
	s3 =	sshll.u32 s3, $0x8;
	s9 =	smul.u32 $0xC3800, s9  }
.Ltmp0:
0xc: {  	s0 =	ssub.s32 s0, s8;
	s3 =	sand.u32 $0x300, s3;
	(pc) =	sbr.rel .LBB2_1-.Ltmp0, $4  }
0xd: {  	s8 =	sshrl.u32 s7, $0x5;
	s10 =	sshrl.u32 s7, $0x1;
	s11 =	sshll.u32 s7, $0x6  }
0xe: {  	s14 =	smax.u32 s0, $0x1;
	s10 =	sand.u32 $0x70, s10;
	s3 =	sor.u32 s3, s9  }
0xf: {  	s31 =	sand.u32 $0xC000, s11;
	s10 =	sadd.s32 s1, s10;
	s3 =	sshrl.u32 s3, $0x3  }
0x10: {  	s11 =	sadd.s32 $0x1000, s5;
	s9 =	sadd.s32 s31, s10;
	s10 =	sadd.s32 s2, s3  }
.LBB2_20:
0x11: {  	s23 =	sadd.s32 $0x1, s23  }
0x12: {  	_ =	swait.ge [sflag:s21], $0x1000;
	p0 =	sne.s32 s23, s14  }
.Ltmp1:
0x13: {  	[sflag:s21] =	ssyncset.done $0x0;
	(pc) =	sbr.rel @!p0 .LBB2_21-.Ltmp1, $4  }
0x14: {  	[sflag:s21] =	ssyncadd.s32 $0xFFFFF000  }
0x15: {  	_ =	swait.ge [sflag:s22], $0x1000  }
0x16: {  	[sflag:s22] =	ssyncset.done $0x0  }
0x17: {  	[sflag:s22] =	ssyncadd.s32 $0xFFFFF000  }
.LBB2_1:
0x18: {  	[tilespmem:s15], [sflag:$0x4] =	stream.linear.gather [hbm4b:s4+s6], $0xD00, $0x38;
	[tilespmem:$0x1F700] =	vst v63  }
0x19: {  	_ =	swait.ge [sflag:s16], $0xD00  }
0x1a: {  	[sflag:s16] =	ssyncset.done $0x0  }
0x1b: {  	[sflag:s16] =	ssyncadd.s32 $0xFFFFF300  }
0x1c: {  	[tilespmem:s19], [sflag:$0x4] =	stream.strided.gather [hbm4b:s9+s17], $0x4000, s18, s17, $0x38;
	[tilespmem:$0x1F700] =	vst v63  }
0x1d: {  	_ =	swait.ge [sflag:s16], $0x4000  }
0x1e: {  	[sflag:s16] =	ssyncset.done $0x0  }
0x1f: {  	s25 =	smov.u32 s8;
	s24 =	simm.s32 $0x0;
	[sflag:s16] =	ssyncadd.s32 $0xFFFFC000  }
0x20: {  	[tilespmem:s6], [sflag:$0x1] =	stream.strided.gather [hbm4b:s10+s17], $0x18700, s18, s17, $0x38;
	[tilespmem:$0x1F700] =	vst v63  }
.LBB2_2:
0x21: {  	s26 =	sadd.s32 s7, s24  }
0x22: {  	s0 =	smov.u32 s25;
	s25 =	sshrl.u32 s26, $0x5  }
0x23: {  	p0 =	seq.s32 s25, s0  }
0x24: {  	s28 =	sand.u32 $0x1F, s26;
	s29 =	sshll.u32 s25, $0x7;
	s0 =	sshll.u32 @!p0 s25, $0x4  }
0x25: {  	s3 =	sshll.u32 @!p0 s25, $0xB;
	s30 =	simm.s32 @!p0 $0x400;
	s0 =	sand.u32 @!p0 $0x70, s0  }
0x26: {  	s28 =	sor.u32 s28, s29;
	s3 =	sand.u32 @!p0 $0xFFFC000, s3;
	s0 =	sadd.s32 @!p0 s1, s0  }
0x27: {  	s29 =	simm.s32 @!p0 $0x18700;
	s0 =	sadd.s32 @!p0 s3, s0;
	s3 =	simm.s32 @!p0 $0x80  }
0x28: {  	v0 =	vmov s28;
	[tilespmem:s29], [sflag:$0x4] =	stream.strided.gather @!p0 [hbm4b:s0+s3], $0x4000, s30, s3, $0x38;
	[tilespmem:$0x1F700] =	vst v63  }
0x29: {  	s0 =	simm.s32 @!p0 $0x4  }
0x2a: {  	_ =	swait.ge @!p0 [sflag:s0], $0x4000  }
0x2b: {  	[sflag:s0] =	ssyncset.done @!p0 $0x0  }
0x2c: {  	[sflag:s0] =	ssyncadd.s32 @!p0 $0xFFFFC000  }
0x2d: {  	v0 =	vld.idx.msk [tilespmem:v0+s15+$0x0], $0xffff;
	_ =	swait.ge [sflag:s20], $0x18700  }
0x2e: {  	p0 =	seq.s32 s24, $0x0;
	[sflag:s20] =	ssyncset.done $0x0  }
0x2f: {  	s0 =	simm.s32 @!p0 $0x2;
	[sflag:s20] =	ssyncadd.s32 $0xFFFE7900  }
0x30: {  	_ =	swait.ge @!p0 [sflag:s0], $0x1000  }
0x31: {  	[sflag:s0] =	ssyncset.done @!p0 $0x0  }
0x32: {  	s3 =	simm.s32 $0x18740;
	[sflag:s0] =	ssyncadd.s32 @!p0 $0xFFFFF000  }
0x33: {  	v1 =	vld [tilespmem:s3+$0x30]  }
0x34: {  	v2 =	vld [tilespmem:s3+$0xFFFFFFD0]  }
0x35: {  	v3 =	vld [tilespmem:s3+$0xFFFFFFE0]  }
0x36: {  	v4 =	vld [tilespmem:s3+$0xFFFFFFF0]  }
0x37: {  	v7 =	vld [tilespmem:s3+$0x0]  }
0x38: {  	v8 =	vld [tilespmem:s3+$0x10]  }
0x39: {  	v9 =	vld [tilespmem:s3+$0x20]  }
0x3a: {  	v10 =	vld [tilespmem:s3+$0xFFFFFFC0]  }
0x3b: {  	v11 =	vld.idx.msk [tilespmem:v1+s6+$0x0], $0xffff  }
0x3c: {  	v12 =	vld.idx.msk [tilespmem:v2+s6+$0x0], $0xffff  }
0x3d: {  	v6 =	vld.idx.msk [tilespmem:v3+s6+$0x0], $0xffff  }
0x3e: {  	v5 =	vld.idx.msk [tilespmem:v4+s6+$0x0], $0xffff  }
0x3f: {  	v4 =	vld.idx.msk [tilespmem:v7+s6+$0x0], $0xffff  }
0x40: {  	v3 =	vld.idx.msk [tilespmem:v8+s6+$0x0], $0xffff  }
0x41: {  	s31 =	simm.s32 $0x187C0;
	s3 =	sshll.u32 s26, $0x4;
	v1 =	vld.idx.msk [tilespmem:v9+s6+$0x0], $0xffff;
	v7 =	vadd.f32 v11, v0  }
0x42: {  	s29 =	simm.s32 $0x1C740;
	s30 =	simm.s32 $0x0;
	s28 =	sand.u32 $0x70, s3;
	v2 =	vld.idx.msk [tilespmem:v10+s6+$0x0], $0xffff;
	v8 =	vadd.f32 v12, v0  }
.LBB2_3:
0x43: {  	v9 =	vld [tilespmem:s31+$0x30];
	s30 =	sadd.s32 $0x80, s30;
	v6 =	vadd.f32 v6, v0;
	[tilespmem:s29+$0x30] =	vst v7  }
0x44: {  	v5 =	vadd.f32 v5, v0;
	v7 =	vld [tilespmem:s31+$0xFFFFFFD0];
	p1 =	slt.u32 s30, $0xF80;
	[tilespmem:s29+$0xFFFFFFD0] =	vst v8  }
0x45: {  	v4 =	vadd.f32 v4, v0;
	v8 =	vld [tilespmem:s31+$0xFFFFFFE0];
	[tilespmem:s29+$0xFFFFFFE0] =	vst v6  }
0x46: {  	v3 =	vadd.f32 v3, v0;
	v10 =	vld [tilespmem:s31+$0xFFFFFFF0];
	[tilespmem:s29+$0xFFFFFFF0] =	vst v5  }
0x47: {  	v1 =	vadd.f32 v1, v0;
	v11 =	vld [tilespmem:s31+$0x0];
	[tilespmem:s29+$0x0] =	vst v4  }
0x48: {  	v2 =	vadd.f32 v2, v0;
	v12 =	vld [tilespmem:s31+$0x10];
	[tilespmem:s29+$0x10] =	vst v3  }
0x49: {  	v13 =	vld [tilespmem:s31+$0x20];
	[tilespmem:s29+$0x20] =	vst v1  }
0x4a: {  	v14 =	vld [tilespmem:s31+$0xFFFFFFC0];
	[tilespmem:s29+$0xFFFFFFC0] =	vst v2  }
0x4b: {  	v2 =	vld.idx.msk [tilespmem:v9+s6+$0x0], $0xffff  }
0x4c: {  	v9 =	vld.idx.msk [tilespmem:v7+s6+$0x0], $0xffff  }
0x4d: {  	v6 =	vld.idx.msk [tilespmem:v8+s6+$0x0], $0xffff  }
.Ltmp2:
0x4e: {  	v5 =	vld.idx.msk [tilespmem:v10+s6+$0x0], $0xffff;
	(pc) =	sbr.rel @p1 .LBB2_3-.Ltmp2, $4  }
0x4f: {  	v4 =	vld.idx.msk [tilespmem:v11+s6+$0x0], $0xffff  }
0x50: {  	v3 =	vld.idx.msk [tilespmem:v12+s6+$0x0], $0xffff  }
0x51: {  	v7 =	vadd.f32 v2, v0;
	v1 =	vld.idx.msk [tilespmem:v13+s6+$0x0], $0xffff  }
0x52: {  	s31 =	sadd.s32 $0x80, s31;
	s29 =	sadd.s32 $0x100, s29;
	v8 =	vadd.f32 v9, v0;
	v2 =	vld.idx.msk [tilespmem:v14+s6+$0x0], $0xffff  }
0x53: {  	v6 =	vadd.f32 v6, v0;
	[tilespmem:s29+$0x30] =	vst v7  }
0x54: {  	v5 =	vadd.f32 v5, v0;
	[tilespmem:s29+$0xFFFFFFD0] =	vst v8  }
0x55: {  	v4 =	vadd.f32 v4, v0;
	[tilespmem:s29+$0xFFFFFFE0] =	vst v6  }
0x56: {  	s0 =	sshll.u32 s26, $0xB;
	[tilespmem:s29+$0xFFFFFFF0] =	vst v5;
	v3 =	vadd.f32 v3, v0  }
0x57: {  	s0 =	sand.u32 $0xFFFC000, s0;
	[tilespmem:s29+$0x0] =	vst v4;
	v1 =	vadd.f32 v1, v0  }
0x58: {  	s28 =	sor.u32 s28, s0;
	v2 =	vadd.f32 v2, v0;
	[tilespmem:s29+$0x10] =	vst v3  }
0x59: {  	s30 =	simm.s32 $0x1C700;
	s3 =	sadd.s32 s5, s28;
	[tilespmem:s29+$0x20] =	vst v1  }
0x5a: {  	s31 =	simm.s32 $0x1C800;
	s0 =	sadd.s32 $0x0, s3;
	[tilespmem:s29+$0xFFFFFFC0] =	vst v2;
	s29 =	simm.s32 $0x80  }
.LBB2_5:
0x5b: {  	[hbm4b:s0+s6] =	stream.linear.scatter [tilespmem:s30], [sflag:$0x2], $0x80, $0x38;
	[tilespmem:$0x1F700] =	vst v63  }
0x5c: {  	s0 =	smov.u32 s29;
	s30 =	smov.u32 s31;
	p1 =	sne.s32 s29, $0xF80  }
.Ltmp3:
0x5d: {  	s29 =	sadd.s32 $0x80, s29;
	(pc) =	sbr.rel @p1 .LBB2_5-.Ltmp3, $2  }
0x5e: {  	_ =	sdelay $0x2  }
0x5f: {  	s31 =	sadd.s32 $0x100, s31;
	s0 =	sadd.s32 s0, s3  }
0x60: {  	[hbm4b:s0+s6] =	stream.linear.scatter [tilespmem:s30], [sflag:$0x2], $0x80, $0x38;
	[tilespmem:$0x1F700] =	vst v63  }
0x61: {  	s0 =	simm.s32 @!p0 $0x3  }
0x62: {  	_ =	swait.ge @!p0 [sflag:s0], $0x1000  }
0x63: {  	[sflag:s0] =	ssyncset.done @!p0 $0x0  }
0x64: {  	s3 =	simm.s32 $0x19770;
	[sflag:s0] =	ssyncadd.s32 @!p0 $0xFFFFF000  }
0x65: {  	v1 =	vld [tilespmem:s3+$0x0]  }
0x66: {  	v2 =	vld [tilespmem:s3+$0xFFFFFFA0]  }
0x67: {  	v3 =	vld [tilespmem:s3+$0xFFFFFFB0]  }
0x68: {  	v4 =	vld [tilespmem:s3+$0xFFFFFFC0]  }
0x69: {  	v7 =	vld [tilespmem:s3+$0xFFFFFFD0]  }
0x6a: {  	v8 =	vld [tilespmem:s3+$0xFFFFFFE0]  }
0x6b: {  	v9 =	vld [tilespmem:s3+$0xFFFFFFF0]  }
0x6c: {  	v10 =	vld [tilespmem:s3+$0xFFFFFF90]  }
0x6d: {  	v11 =	vld.idx.msk [tilespmem:v1+s6+$0x0], $0xffff  }
0x6e: {  	v12 =	vld.idx.msk [tilespmem:v2+s6+$0x0], $0xffff  }
0x6f: {  	v6 =	vld.idx.msk [tilespmem:v3+s6+$0x0], $0xffff  }
0x70: {  	v5 =	vld.idx.msk [tilespmem:v4+s6+$0x0], $0xffff  }
0x71: {  	v4 =	vld.idx.msk [tilespmem:v7+s6+$0x0], $0xffff  }
0x72: {  	v2 =	vld.idx.msk [tilespmem:v8+s6+$0x0], $0xffff  }
0x73: {  	v1 =	vld.idx.msk [tilespmem:v9+s6+$0x0], $0xffff;
	v7 =	vadd.f32 v11, v0  }
0x74: {  	s29 =	simm.s32 $0x1C7F0;
	s30 =	simm.s32 $0x0;
	s31 =	simm.s32 $0x197F0;
	v3 =	vld.idx.msk [tilespmem:v10+s6+$0x0], $0xffff;
	v8 =	vadd.f32 v12, v0  }
.LBB2_7:
0x75: {  	v9 =	vld [tilespmem:s31+$0x0];
	s30 =	sadd.s32 $0x80, s30;
	v6 =	vadd.f32 v6, v0;
	[tilespmem:s29+$0x0] =	vst v7  }
0x76: {  	v5 =	vadd.f32 v5, v0;
	v7 =	vld [tilespmem:s31+$0xFFFFFFA0];
	p0 =	slt.u32 s30, $0xF80;
	[tilespmem:s29+$0xFFFFFFA0] =	vst v8  }
0x77: {  	v4 =	vadd.f32 v4, v0;
	v8 =	vld [tilespmem:s31+$0xFFFFFFB0];
	[tilespmem:s29+$0xFFFFFFB0] =	vst v6  }
0x78: {  	v2 =	vadd.f32 v2, v0;
	v10 =	vld [tilespmem:s31+$0xFFFFFFC0];
	[tilespmem:s29+$0xFFFFFFC0] =	vst v5  }
0x79: {  	v1 =	vadd.f32 v1, v0;
	v11 =	vld [tilespmem:s31+$0xFFFFFFD0];
	[tilespmem:s29+$0xFFFFFFD0] =	vst v4  }
0x7a: {  	v3 =	vadd.f32 v3, v0;
	v12 =	vld [tilespmem:s31+$0xFFFFFFE0];
	[tilespmem:s29+$0xFFFFFFE0] =	vst v2  }
0x7b: {  	v13 =	vld [tilespmem:s31+$0xFFFFFFF0];
	[tilespmem:s29+$0xFFFFFFF0] =	vst v1  }
0x7c: {  	v14 =	vld [tilespmem:s31+$0xFFFFFF90];
	[tilespmem:s29+$0xFFFFFF90] =	vst v3  }
0x7d: {  	v3 =	vld.idx.msk [tilespmem:v9+s6+$0x0], $0xffff  }
0x7e: {  	v9 =	vld.idx.msk [tilespmem:v7+s6+$0x0], $0xffff  }
0x7f: {  	v6 =	vld.idx.msk [tilespmem:v8+s6+$0x0], $0xffff  }
.Ltmp4:
0x80: {  	v5 =	vld.idx.msk [tilespmem:v10+s6+$0x0], $0xffff;
	(pc) =	sbr.rel @p0 .LBB2_7-.Ltmp4, $4  }
0x81: {  	v4 =	vld.idx.msk [tilespmem:v11+s6+$0x0], $0xffff  }
0x82: {  	v2 =	vld.idx.msk [tilespmem:v12+s6+$0x0], $0xffff  }
0x83: {  	v7 =	vadd.f32 v3, v0;
	v1 =	vld.idx.msk [tilespmem:v13+s6+$0x0], $0xffff  }
0x84: {  	s31 =	sadd.s32 $0x80, s31;
	s29 =	sadd.s32 $0x100, s29;
	v8 =	vadd.f32 v9, v0;
	v3 =	vld.idx.msk [tilespmem:v14+s6+$0x0], $0xffff  }
0x85: {  	v6 =	vadd.f32 v6, v0;
	[tilespmem:s29+$0x0] =	vst v7  }
0x86: {  	v5 =	vadd.f32 v5, v0;
	[tilespmem:s29+$0xFFFFFFA0] =	vst v8  }
0x87: {  	v4 =	vadd.f32 v4, v0;
	[tilespmem:s29+$0xFFFFFFB0] =	vst v6  }
0x88: {  	[tilespmem:s29+$0xFFFFFFC0] =	vst v5;
	v2 =	vadd.f32 v2, v0  }
0x89: {  	[tilespmem:s29+$0xFFFFFFD0] =	vst v4;
	v1 =	vadd.f32 v1, v0  }
0x8a: {  	v3 =	vadd.f32 v3, v0;
	[tilespmem:s29+$0xFFFFFFE0] =	vst v2  }
0x8b: {  	s3 =	sadd.s32 s28, s11;
	s30 =	simm.s32 $0x1C780;
	[tilespmem:s29+$0xFFFFFFF0] =	vst v1  }
0x8c: {  	s31 =	simm.s32 $0x1C880;
	s0 =	sadd.s32 $0x0, s3;
	[tilespmem:s29+$0xFFFFFF90] =	vst v3;
	s29 =	simm.s32 $0x80  }
.LBB2_9:
0x8d: {  	[hbm4b:s0+s6] =	stream.linear.scatter [tilespmem:s30], [sflag:$0x3], $0x80, $0x38;
	[tilespmem:$0x1F700] =	vst v63  }
0x8e: {  	s0 =	smov.u32 s29;
	s30 =	smov.u32 s31;
	p0 =	sne.s32 s29, $0xF80  }
.Ltmp5:
0x8f: {  	s29 =	sadd.s32 $0x80, s29;
	(pc) =	sbr.rel @p0 .LBB2_9-.Ltmp5, $2  }
0x90: {  	_ =	sdelay $0x2  }
0x91: {  	s31 =	sadd.s32 $0x100, s31;
	s0 =	sadd.s32 s0, s3  }
0x92: {  	[hbm4b:s0+s6] =	stream.linear.scatter [tilespmem:s30], [sflag:$0x3], $0x80, $0x38;
	[tilespmem:$0x1F700] =	vst v63  }
0x93: {  	_ =	swait.ge [sflag:s21], $0x1000  }
0x94: {  	[sflag:s21] =	ssyncset.done $0x0  }
0x95: {  	s3 =	simm.s32 $0x1A770;
	[sflag:s21] =	ssyncadd.s32 $0xFFFFF000  }
0x96: {  	v1 =	vld [tilespmem:s3+$0x0]  }
0x97: {  	v2 =	vld [tilespmem:s3+$0xFFFFFFA0]  }
0x98: {  	v3 =	vld [tilespmem:s3+$0xFFFFFFB0]  }
0x99: {  	v4 =	vld [tilespmem:s3+$0xFFFFFFC0]  }
0x9a: {  	v7 =	vld [tilespmem:s3+$0xFFFFFFD0]  }
0x9b: {  	v8 =	vld [tilespmem:s3+$0xFFFFFFE0]  }
0x9c: {  	v9 =	vld [tilespmem:s3+$0xFFFFFFF0]  }
0x9d: {  	v10 =	vld [tilespmem:s3+$0xFFFFFF90]  }
0x9e: {  	v11 =	vld.idx.msk [tilespmem:v1+s6+$0x0], $0xffff  }
0x9f: {  	v12 =	vld.idx.msk [tilespmem:v2+s6+$0x0], $0xffff  }
0xa0: {  	v6 =	vld.idx.msk [tilespmem:v3+s6+$0x0], $0xffff  }
0xa1: {  	v5 =	vld.idx.msk [tilespmem:v4+s6+$0x0], $0xffff  }
0xa2: {  	v4 =	vld.idx.msk [tilespmem:v7+s6+$0x0], $0xffff  }
0xa3: {  	v3 =	vld.idx.msk [tilespmem:v8+s6+$0x0], $0xffff  }
0xa4: {  	s29 =	sadd.s32 s28, s12;
	v1 =	vld.idx.msk [tilespmem:v9+s6+$0x0], $0xffff;
	v7 =	vadd.f32 v11, v0  }
0xa5: {  	s30 =	simm.s32 $0x1C740;
	s31 =	simm.s32 $0x0;
	s3 =	simm.s32 $0x1A7F0;
	v2 =	vld.idx.msk [tilespmem:v10+s6+$0x0], $0xffff;
	v8 =	vadd.f32 v12, v0  }
.LBB2_11:
0xa6: {  	v9 =	vld [tilespmem:s3+$0x0];
	s31 =	sadd.s32 $0x80, s31;
	v6 =	vadd.f32 v6, v0;
	[tilespmem:s30+$0x30] =	vst v7  }
0xa7: {  	v5 =	vadd.f32 v5, v0;
	v7 =	vld [tilespmem:s3+$0xFFFFFFA0];
	p0 =	slt.u32 s31, $0xF80;
	[tilespmem:s30+$0xFFFFFFD0] =	vst v8  }
0xa8: {  	v4 =	vadd.f32 v4, v0;
	v8 =	vld [tilespmem:s3+$0xFFFFFFB0];
	[tilespmem:s30+$0xFFFFFFE0] =	vst v6  }
0xa9: {  	v3 =	vadd.f32 v3, v0;
	v10 =	vld [tilespmem:s3+$0xFFFFFFC0];
	[tilespmem:s30+$0xFFFFFFF0] =	vst v5  }
0xaa: {  	v1 =	vadd.f32 v1, v0;
	v11 =	vld [tilespmem:s3+$0xFFFFFFD0];
	[tilespmem:s30+$0x0] =	vst v4  }
0xab: {  	v2 =	vadd.f32 v2, v0;
	v12 =	vld [tilespmem:s3+$0xFFFFFFE0];
	[tilespmem:s30+$0x10] =	vst v3  }
0xac: {  	v13 =	vld [tilespmem:s3+$0xFFFFFFF0];
	[tilespmem:s30+$0x20] =	vst v1  }
0xad: {  	v14 =	vld [tilespmem:s3+$0xFFFFFF90];
	[tilespmem:s30+$0xFFFFFFC0] =	vst v2  }
0xae: {  	v2 =	vld.idx.msk [tilespmem:v9+s6+$0x0], $0xffff  }
0xaf: {  	v9 =	vld.idx.msk [tilespmem:v7+s6+$0x0], $0xffff  }
0xb0: {  	v6 =	vld.idx.msk [tilespmem:v8+s6+$0x0], $0xffff  }
.Ltmp6:
0xb1: {  	v5 =	vld.idx.msk [tilespmem:v10+s6+$0x0], $0xffff;
	(pc) =	sbr.rel @p0 .LBB2_11-.Ltmp6, $4  }
0xb2: {  	v4 =	vld.idx.msk [tilespmem:v11+s6+$0x0], $0xffff  }
0xb3: {  	v3 =	vld.idx.msk [tilespmem:v12+s6+$0x0], $0xffff  }
0xb4: {  	v7 =	vadd.f32 v2, v0;
	v1 =	vld.idx.msk [tilespmem:v13+s6+$0x0], $0xffff  }
0xb5: {  	s3 =	sadd.s32 $0x80, s3;
	s30 =	sadd.s32 $0x100, s30;
	v8 =	vadd.f32 v9, v0;
	v2 =	vld.idx.msk [tilespmem:v14+s6+$0x0], $0xffff  }
0xb6: {  	v6 =	vadd.f32 v6, v0;
	[tilespmem:s30+$0x30] =	vst v7  }
0xb7: {  	v5 =	vadd.f32 v5, v0;
	[tilespmem:s30+$0xFFFFFFD0] =	vst v8  }
0xb8: {  	v4 =	vadd.f32 v4, v0;
	[tilespmem:s30+$0xFFFFFFE0] =	vst v6  }
0xb9: {  	[tilespmem:s30+$0xFFFFFFF0] =	vst v5;
	v3 =	vadd.f32 v3, v0  }
0xba: {  	[tilespmem:s30+$0x0] =	vst v4;
	v1 =	vadd.f32 v1, v0  }
0xbb: {  	v2 =	vadd.f32 v2, v0;
	[tilespmem:s30+$0x10] =	vst v3  }
0xbc: {  	s3 =	simm.s32 $0x1C700;
	[tilespmem:s30+$0x20] =	vst v1  }
0xbd: {  	s0 =	sadd.s32 $0x0, s29;
	s31 =	simm.s32 $0x1C800;
	[tilespmem:s30+$0xFFFFFFC0] =	vst v2;
	s30 =	simm.s32 $0x80  }
.LBB2_13:
0xbe: {  	[hbm4b:s0+s6] =	stream.linear.scatter [tilespmem:s3], [sflag:$0x2], $0x80, $0x38;
	[tilespmem:$0x1F700] =	vst v63  }
0xbf: {  	s0 =	smov.u32 s30;
	s3 =	smov.u32 s31;
	p0 =	sne.s32 s30, $0xF80  }
.Ltmp7:
0xc0: {  	s30 =	sadd.s32 $0x80, s30;
	(pc) =	sbr.rel @p0 .LBB2_13-.Ltmp7, $2  }
0xc1: {  	_ =	sdelay $0x2  }
0xc2: {  	s31 =	sadd.s32 $0x100, s31;
	s0 =	sadd.s32 s0, s29  }
0xc3: {  	[hbm4b:s0+s6] =	stream.linear.scatter [tilespmem:s3], [sflag:$0x2], $0x80, $0x38;
	[tilespmem:$0x1F700] =	vst v63  }
0xc4: {  	_ =	swait.ge [sflag:s22], $0x1000  }
0xc5: {  	[sflag:s22] =	ssyncset.done $0x0  }
0xc6: {  	s31 =	simm.s32 $0x1B770;
	[sflag:s22] =	ssyncadd.s32 $0xFFFFF000  }
0xc7: {  	v1 =	vld [tilespmem:s31+$0x0]  }
0xc8: {  	v2 =	vld [tilespmem:s31+$0xFFFFFFA0]  }
0xc9: {  	v3 =	vld [tilespmem:s31+$0xFFFFFFB0]  }
0xca: {  	v4 =	vld [tilespmem:s31+$0xFFFFFFC0]  }
0xcb: {  	v7 =	vld [tilespmem:s31+$0xFFFFFFD0]  }
0xcc: {  	v8 =	vld [tilespmem:s31+$0xFFFFFFE0]  }
0xcd: {  	v9 =	vld [tilespmem:s31+$0xFFFFFFF0]  }
0xce: {  	v10 =	vld [tilespmem:s31+$0xFFFFFF90]  }
0xcf: {  	v11 =	vld.idx.msk [tilespmem:v1+s6+$0x0], $0xffff  }
0xd0: {  	v12 =	vld.idx.msk [tilespmem:v2+s6+$0x0], $0xffff  }
0xd1: {  	v6 =	vld.idx.msk [tilespmem:v3+s6+$0x0], $0xffff  }
0xd2: {  	v5 =	vld.idx.msk [tilespmem:v4+s6+$0x0], $0xffff  }
0xd3: {  	v4 =	vld.idx.msk [tilespmem:v7+s6+$0x0], $0xffff  }
0xd4: {  	v3 =	vld.idx.msk [tilespmem:v8+s6+$0x0], $0xffff  }
0xd5: {  	s28 =	sadd.s32 s28, s13;
	v1 =	vld.idx.msk [tilespmem:v9+s6+$0x0], $0xffff;
	v7 =	vadd.f32 v11, v0  }
0xd6: {  	s29 =	simm.s32 $0x1C7F0;
	s30 =	simm.s32 $0x0;
	s3 =	simm.s32 $0x1B7F0;
	v2 =	vld.idx.msk [tilespmem:v10+s6+$0x0], $0xffff;
	v8 =	vadd.f32 v12, v0  }
.LBB2_15:
0xd7: {  	v9 =	vld [tilespmem:s3+$0x0];
	s30 =	sadd.s32 $0x80, s30;
	v6 =	vadd.f32 v6, v0;
	[tilespmem:s29+$0x0] =	vst v7  }
0xd8: {  	v5 =	vadd.f32 v5, v0;
	v7 =	vld [tilespmem:s3+$0xFFFFFFA0];
	p0 =	slt.u32 s30, $0xF80;
	[tilespmem:s29+$0xFFFFFFA0] =	vst v8  }
0xd9: {  	v4 =	vadd.f32 v4, v0;
	v8 =	vld [tilespmem:s3+$0xFFFFFFB0];
	[tilespmem:s29+$0xFFFFFFB0] =	vst v6  }
0xda: {  	v3 =	vadd.f32 v3, v0;
	v10 =	vld [tilespmem:s3+$0xFFFFFFC0];
	[tilespmem:s29+$0xFFFFFFC0] =	vst v5  }
0xdb: {  	v1 =	vadd.f32 v1, v0;
	v11 =	vld [tilespmem:s3+$0xFFFFFFD0];
	[tilespmem:s29+$0xFFFFFFD0] =	vst v4  }
0xdc: {  	v2 =	vadd.f32 v2, v0;
	v12 =	vld [tilespmem:s3+$0xFFFFFFE0];
	[tilespmem:s29+$0xFFFFFFE0] =	vst v3  }
0xdd: {  	v13 =	vld [tilespmem:s3+$0xFFFFFFF0];
	[tilespmem:s29+$0xFFFFFFF0] =	vst v1  }
0xde: {  	v14 =	vld [tilespmem:s3+$0xFFFFFF90];
	[tilespmem:s29+$0xFFFFFF90] =	vst v2  }
0xdf: {  	v2 =	vld.idx.msk [tilespmem:v9+s6+$0x0], $0xffff  }
0xe0: {  	v9 =	vld.idx.msk [tilespmem:v7+s6+$0x0], $0xffff  }
0xe1: {  	v6 =	vld.idx.msk [tilespmem:v8+s6+$0x0], $0xffff  }
.Ltmp8:
0xe2: {  	v5 =	vld.idx.msk [tilespmem:v10+s6+$0x0], $0xffff;
	(pc) =	sbr.rel @p0 .LBB2_15-.Ltmp8, $4  }
0xe3: {  	v4 =	vld.idx.msk [tilespmem:v11+s6+$0x0], $0xffff  }
0xe4: {  	v3 =	vld.idx.msk [tilespmem:v12+s6+$0x0], $0xffff  }
0xe5: {  	v7 =	vadd.f32 v2, v0;
	v1 =	vld.idx.msk [tilespmem:v13+s6+$0x0], $0xffff  }
0xe6: {  	s3 =	sadd.s32 $0x80, s3;
	s29 =	sadd.s32 $0x100, s29;
	v8 =	vadd.f32 v9, v0;
	v2 =	vld.idx.msk [tilespmem:v14+s6+$0x0], $0xffff  }
0xe7: {  	v6 =	vadd.f32 v6, v0;
	[tilespmem:s29+$0x0] =	vst v7  }
0xe8: {  	v5 =	vadd.f32 v5, v0;
	[tilespmem:s29+$0xFFFFFFA0] =	vst v8  }
0xe9: {  	v4 =	vadd.f32 v4, v0;
	[tilespmem:s29+$0xFFFFFFB0] =	vst v6  }
0xea: {  	[tilespmem:s29+$0xFFFFFFC0] =	vst v5;
	v3 =	vadd.f32 v3, v0  }
0xeb: {  	[tilespmem:s29+$0xFFFFFFD0] =	vst v4;
	v1 =	vadd.f32 v1, v0  }
0xec: {  	v63 =	vadd.f32 v2, v0;
	[tilespmem:s29+$0xFFFFFFE0] =	vst v3  }
0xed: {  	s3 =	simm.s32 $0x1C780;
	[tilespmem:s29+$0xFFFFFFF0] =	vst v1  }
0xee: {  	s0 =	sadd.s32 $0x0, s28;
	s30 =	simm.s32 $0x1C880;
	[tilespmem:s29+$0xFFFFFF90] =	vst v63;
	s29 =	simm.s32 $0x80  }
.LBB2_17:
0xef: {  	[hbm4b:s0+s6] =	stream.linear.scatter [tilespmem:s3], [sflag:$0x3], $0x80, $0x38;
	[tilespmem:$0x1F700] =	vst v63  }
0xf0: {  	s0 =	smov.u32 s29;
	s3 =	smov.u32 s30;
	p0 =	sne.s32 s29, $0xF80  }
.Ltmp9:
0xf1: {  	s29 =	sadd.s32 $0x80, s29;
	(pc) =	sbr.rel @p0 .LBB2_17-.Ltmp9, $2  }
0xf2: {  	_ =	sdelay $0x2  }
0xf3: {  	s30 =	sadd.s32 $0x100, s30;
	s0 =	sadd.s32 s0, s28  }
0xf4: {  	p0 =	seq.s32 s24, $0x19  }
.Ltmp10:
0xf5: {  	_ = 	snop;
	(pc) =	sbr.rel @p0 .LBB2_20-.Ltmp10, $2  }
0xf6: {  	_ =	sdelay $0x2  }
0xf7: {  	[hbm4b:s0+s6] =	stream.linear.scatter [tilespmem:s3], [sflag:$0x3], $0x80, $0x38;
	[tilespmem:$0x1F700] =	vst v63  }
0xf8: {  	s0 =	sadd.s32 $0x1, s26  }
0xf9: {  	s3 =	sshrl.u32 s0, $0x3  }
0xfa: {  	s0 =	sshll.u32 s0, $0x7;
	s3 =	smul.u32 $0xC3800, s3  }
.Ltmp11:
0xfb: {  	s0 =	sand.u32 $0x380, s0;
	(pc) =	sbr.rel .LBB2_2-.Ltmp11, $4  }
0xfc: {  	s0 =	sor.u32 s0, s3  }
0xfd: {  	s0 =	sshrl.u32 s0, $0x3  }
0xfe: {  	s24 =	sadd.s32 $0x1, s24;
	s0 =	sadd.s32 s2, s0  }
0xff: {  	[tilespmem:s6], [sflag:$0x1] =	stream.strided.gather [hbm4b:s0+s17], $0x18700, s18, s17, $0x38;
	[tilespmem:$0x1F700] =	vst v63  }
.LBB2_21:
0x100: {  	_ =	sfence.sel $0x180000  }
0x101: {  	[bflag:$0x0] =	sbarrier.arrive $0xFFFF  }
0x102: {  	_ =	strace $0x90000047  }
0x103: {  	s0 =	stileid.u32;
	[bflag:$0x2] =	sbarrier.arrive $0xFFFF  }
0x104: {  	p0 =	sne.s32 s0, $0x0;
	s0 =	rddreg [dreg:$0x4]  }
0x105: {  	s0 =	sadd.s32 @!p0 $0x100000, s0  }
0x106: {  	[sflag:s0] =	ssyncadd.tile.s32 @!p0 $0x1;
	_ =	shalt  }
.Lfunc_end2:
_tile_overlayer_lowered:
.L_overlay_start_2:
0x107: {  	(tag) =	ssettag $0x2  }
0x108: {  	s0 =	rddreg [dreg:$0x0];
	s2 =	stileid.u32  }
0x109: {  	s1 =	rddreg [dreg:$0x1];
	p0 =	sne.s32 s2, $0x0  }
0x10a: {  	s3 =	rddreg [dreg:$0x2];
	[bflag:$0x3] =	sbarrier.arrive $0xFFFF;
	s2 =	simm.s32 @!p0 $0x1C04  }
0x10b: {  	[timem:s3], [sflag:s2] =	dma.local @!p0 [hbm:s0], s1  }
0x10c: {  	s0 =	simm.s32 @!p0 $0x4  }
0x10d: {  	_ =	swait.ge @!p0 [sflag:s0], s1  }
0x10e: {  	s1 =	ssub.s32 @!p0 $0x0, s1;
	[sflag:s0] =	ssyncset.done @!p0 $0x0  }
0x10f: {  	[sflag:s0] =	ssyncadd.s32 @!p0 s1  }
0x110: {  	[bflag:$0x3] =	sbarrier.arrive $0xFFFF  }
0x111: {  	_ =	shalt  }

</sc_bundles>
